<compile_context>
chip_gen: v7x
topology: tpu7x:2x2x1
jax: 0.10.2.dev20260603
libtpu: 0.0.44.dev20260713+nightly
codegen_flags: <defaults>
</compile_context>

<pallas_src>
import functools

import jax
import jax.numpy as jnp
from jax import lax
from jax.experimental import pallas as pl
from jax.experimental.pallas import tpu as pltpu
from jax.experimental.pallas import tpu_sc as plsc

N_NODES = 10000
N_EDGES = 320000
D_FEAT = 128
D_EDGE = 16
D_OUT = 16
N_PK = N_EDGES // 8



def _nodeproj_body(x_ref, w_ref, xs_ref, xd_ref):
    xs_ref[...] = jnp.dot(x_ref[...], w_ref[D_EDGE:D_EDGE + D_FEAT, :],
                          preferred_element_type=jnp.float32)
    xd_ref[...] = jnp.dot(x_ref[...], w_ref[D_EDGE + D_FEAT:, :],
                          preferred_element_type=jnp.float32)


def _nodeproj(x, W):
    return pl.pallas_call(
        _nodeproj_body,
        out_shape=[
            jax.ShapeDtypeStruct((N_NODES, D_OUT), jnp.float32),
            jax.ShapeDtypeStruct((N_NODES, D_OUT), jnp.float32),
        ],
    )(x, W)



_G = 2000
_EBLK = 8 * _G
_NBLK = N_EDGES // _EBLK

_CONTRACT0 = (((0,), (0,)), ((), ()))
_CONTRACT1 = (((1,), (1,)), ((), ()))


def _finish_body(gs_ref, eat_ref, w_ref, b_ref, eye_ref, out_ref):
    p = gs_ref[...]
    eye = eye_ref[...]
    parts = []
    for j in range(8):
        sl = p[:, j * D_OUT:(j + 1) * D_OUT]
        parts.append(lax.dot_general(eye, sl, _CONTRACT1,
                                     preferred_element_type=jnp.float32))
    gsT = jnp.concatenate(parts, axis=1)
    eapT = lax.dot_general(w_ref[:D_EDGE, :], eat_ref[...], _CONTRACT0,
                           preferred_element_type=jnp.float32)
    out_ref[...] = gsT + eapT + b_ref[...]


def _finish(gsum_pk, eaT, W, bcol, eye16):
    return pl.pallas_call(
        _finish_body,
        grid=(_NBLK,),
        in_specs=[
            pl.BlockSpec((_G, 128), lambda i: (i, 0)),
            pl.BlockSpec((D_EDGE, _EBLK), lambda i: (0, i)),
            pl.BlockSpec((D_EDGE + 2 * D_FEAT, D_OUT), lambda i: (0, 0)),
            pl.BlockSpec((D_OUT, 1), lambda i: (0, 0)),
            pl.BlockSpec((D_OUT, D_OUT), lambda i: (0, 0)),
        ],
        out_specs=pl.BlockSpec((D_OUT, _EBLK), lambda i: (0, i)),
        out_shape=jax.ShapeDtypeStruct((D_OUT, N_EDGES), jnp.float32),
    )(gsum_pk, eaT, W, bcol, eye16)



_NW = 32
_EPW = N_EDGES // _NW
_MACRO = 2000
_PMACRO = _MACRO // 8
_NMACRO = _EPW // _MACRO

_mesh = plsc.VectorSubcoreMesh(core_axis_name="c", subcore_axis_name="s")


@functools.partial(
    pl.kernel,
    mesh=_mesh,
    compiler_params=pltpu.CompilerParams(use_tc_tiling_on_sc=False),
    out_type=jax.ShapeDtypeStruct((N_PK, 128), jnp.float32),
    scratch_types=[
        pltpu.VMEM((_EPW,), jnp.int32),
        pltpu.VMEM((_EPW,), jnp.int32),
        pltpu.VMEM((_MACRO, D_OUT), jnp.float32),
        pltpu.VMEM((_MACRO, D_OUT), jnp.float32),
        pltpu.SemaphoreType.DMA,
        pltpu.SemaphoreType.DMA,
        pltpu.SemaphoreType.DMA,
        pltpu.SemaphoreType.DMA,
        pltpu.SemaphoreType.DMA,
        pltpu.SemaphoreType.DMA,
    ],
)
def _sc_gather_sum(src_hbm, dst_hbm, xs_hbm, xd_hbm, out_hbm,
                   idx_s, idx_d, res0, res1,
                   sem_g0, sem_g1, sem_a0, sem_a1, sem_w0, sem_w1):
    wid = lax.axis_index("s") * 2 + lax.axis_index("c")
    base = wid * _EPW
    pltpu.sync_copy(src_hbm.at[pl.ds(base, _EPW)], idx_s)
    pltpu.sync_copy(dst_hbm.at[pl.ds(base, _EPW)], idx_d)
    res = [res0, res1]
    sem_g = [sem_g0, sem_g1]
    sem_a = [sem_a0, sem_a1]
    sem_w = [sem_w0, sem_w1]

    def dst_slice(m):
        gm = (base + m * _MACRO) // _MACRO
        prow = (gm // 8) * _G
        j = gm % 8
        return out_hbm.at[pl.ds(prow, _G), pl.ds(j * D_OUT, D_OUT)]

    P = [None] * _NMACRO
    A = [None] * _NMACRO
    Wr = [None] * _NMACRO
    P[0] = pltpu.async_copy(xs_hbm.at[idx_s.at[pl.ds(0, _MACRO)]],
                            res[0], sem_g[0])
    for m in range(_NMACRO):
        b = m % 2
        P[m].wait()
        A[m] = pltpu.async_copy(xd_hbm.at[idx_d.at[pl.ds(m * _MACRO, _MACRO)]],
                                res[b], sem_a[b], add=True)
        A[m].wait()
        if m + 1 < _NMACRO:
            if m >= 1:
                Wr[m - 1].wait()
            P[m + 1] = pltpu.async_copy(
                xs_hbm.at[idx_s.at[pl.ds((m + 1) * _MACRO, _MACRO)]],
                res[1 - b], sem_g[1 - b])
        Wr[m] = pltpu.async_copy(res[b], dst_slice(m), sem_w[b])
    Wr[_NMACRO - 2].wait()
    Wr[_NMACRO - 1].wait()


def kernel(x, edge_index, edge_attr, pos, W, b):
    xs, xd = _nodeproj(x, W)
    gsum_pk = _sc_gather_sum(edge_index[0], edge_index[1], xs, xd)
    outT = _finish(gsum_pk, edge_attr.T, W, b.reshape(D_OUT, 1),
                   jnp.eye(D_OUT, dtype=jnp.float32))
    return (x, outT.T, edge_index, pos)

# --- scband reference (transcript-rebuilt; emitter-appended) ---
"""Pipeline reference for scband-edge-block-17008070492483 (READ-ONLY COPY).

The authoritative reference and input builder live on the scoring server;
editing this copy changes nothing except your own understanding.
"""

import jax, jax.numpy as jnp
import numpy as np

N_NODES = 10000
N_EDGES = 320000
D_FEAT = 128
D_EDGE = 16
D_IN = D_EDGE + 2 * D_FEAT  # 272
D_OUT = 16


def setup_inputs(seed: int = 0) -> dict:
    key = jax.random.key(seed)
    k1, k2, k3, k4, k5 = jax.random.split(key, 5)
    x = jax.random.normal(k1, (N_NODES, D_FEAT), dtype=jnp.float32)
    edge_index = jax.random.randint(k2, (2, N_EDGES), 0, N_NODES).astype(jnp.int32)
    edge_attr = jax.random.normal(k3, (N_EDGES, D_EDGE), dtype=jnp.float32)
    pos = jax.random.normal(k4, (N_NODES, 3), dtype=jnp.float32)
    # model_fn parameters: a single Linear(272 -> 16) edge-update MLP
    kW, kb = jax.random.split(k5)
    W = jax.random.normal(kW, (D_IN, D_OUT), dtype=jnp.float32) * 0.05
    b = jnp.zeros((D_OUT,), dtype=jnp.float32)
    return {"x": x, "edge_index": edge_index, "edge_attr": edge_attr, "pos": pos, "W": W, "b": b}


def reference(x, edge_index, edge_attr, pos, W, b):
    # edge_inputs = concat([edge_attr, x[src], x[dst]], dim=1)
    src = jnp.take(x, edge_index[0], axis=0)
    dst = jnp.take(x, edge_index[1], axis=0)
    edge_inputs = jnp.concatenate([edge_attr, src, dst], axis=1)
    # model_fn: Linear
    new_edge_attr = edge_inputs @ W + b
    # Data(x=..., edge_attr=new, edge_index=..., pos=...) -> return as tuple
    return (x, new_edge_attr, edge_index, pos)

if __name__ == "__main__":
    import jax
    _d = setup_inputs()
    print(jax.jit(kernel)(*tuple(_d.values())))

</pallas_src>

<mosaic_0001>
#map = affine_map<(d0, d1) -> (0)>
#map1 = affine_map<(d0, d1) -> (0, 0)>
module attributes {stable_mosaic.version = 14 : i64} {
  func.func @_sc_gather_sum(%arg0: i32, %arg1: i32, %arg2: memref<320000xi32, #tpu.memory_space<hbm>>, %arg3: memref<320000xi32, #tpu.memory_space<hbm>>, %arg4: memref<10000x16xf32, #tpu.memory_space<hbm>>, %arg5: memref<10000x16xf32, #tpu.memory_space<hbm>>, %arg6: memref<40000x128xf32, #tpu.memory_space<hbm>>, %arg7: memref<10000xi32, #tpu.memory_space<vmem>>, %arg8: memref<10000xi32, #tpu.memory_space<vmem>>, %arg9: memref<2000x16xf32, #tpu.memory_space<vmem>>, %arg10: memref<2000x16xf32, #tpu.memory_space<vmem>>, %arg11: memref<!tpu.dma_semaphore, #tpu.memory_space<semaphore_mem>>, %arg12: memref<!tpu.dma_semaphore, #tpu.memory_space<semaphore_mem>>, %arg13: memref<!tpu.dma_semaphore, #tpu.memory_space<semaphore_mem>>, %arg14: memref<!tpu.dma_semaphore, #tpu.memory_space<semaphore_mem>>, %arg15: memref<!tpu.dma_semaphore, #tpu.memory_space<semaphore_mem>>, %arg16: memref<!tpu.dma_semaphore, #tpu.memory_space<semaphore_mem>>) attributes {dimension_semantics = [#tpu.dimension_semantics<core_parallel>, #tpu.dimension_semantics<subcore_parallel>], iteration_bounds = array<i64: 2, 16>, scalar_prefetch = 0 : i64, scratch_operands = 10 : i64, tpu.core_type = #tpu.core_type<sc_vector_subcore>, window_params = [{transform_indices = #map}, {transform_indices = #map}, {transform_indices = #map1}, {transform_indices = #map1}, {transform_indices = #map1}]} {
    %mul3A = arith.constant 2 : i32
    %mul3A_0 = arith.muli %arg1, %mul3A : i32
    %add3A = arith.addi %mul3A_0, %arg0 : i32
    %mul3A_1 = arith.constant 10000 : i32
    %mul3A_2 = arith.muli %add3A, %mul3A_1 : i32
    "tpu.region"() ({
      %run_scoped3A = tpu.sem_alloc : memref<!tpu.dma_semaphore, #tpu.memory_space<semaphore_mem>>
      %dma_start3A_461 = tpu.memref_slice %arg2[%mul3A_2] : memref<320000xi32, #tpu.memory_space<hbm>> -> memref<10000xi32, #tpu.memory_space<hbm>>
      %dma_start3A_462 = tpu.memref_slice %arg2[%mul3A_2] : memref<320000xi32, #tpu.memory_space<hbm>> -> memref<10000xi32, #tpu.memory_space<hbm>>
      tpu.enqueue_dma source(%dma_start3A_462 : memref<10000xi32, #tpu.memory_space<hbm>>) target(%arg7 : memref<10000xi32, #tpu.memory_space<vmem>>) target_semaphore(%run_scoped3A : memref<!tpu.dma_semaphore, #tpu.memory_space<semaphore_mem>>)
      %dma_wait3A_463 = tpu.memref_slice %arg2[%mul3A_2] : memref<320000xi32, #tpu.memory_space<hbm>> -> memref<10000xi32, #tpu.memory_space<hbm>>
      %dma_wait3A_464 = tpu.memref_slice %arg2[%mul3A_2] : memref<320000xi32, #tpu.memory_space<hbm>> -> memref<10000xi32, #tpu.memory_space<hbm>>
      tpu.wait_dma2 semaphore(%run_scoped3A : memref<!tpu.dma_semaphore, #tpu.memory_space<semaphore_mem>>) src(%dma_wait3A_464 : memref<10000xi32, #tpu.memory_space<hbm>>) dst(%arg7 : memref<10000xi32, #tpu.memory_space<vmem>>)
      tpu.yield
    }) : () -> ()
    "tpu.region"() ({
      %run_scoped3A = tpu.sem_alloc : memref<!tpu.dma_semaphore, #tpu.memory_space<semaphore_mem>>
      %dma_start3A_461 = tpu.memref_slice %arg3[%mul3A_2] : memref<320000xi32, #tpu.memory_space<hbm>> -> memref<10000xi32, #tpu.memory_space<hbm>>
      %dma_start3A_462 = tpu.memref_slice %arg3[%mul3A_2] : memref<320000xi32, #tpu.memory_space<hbm>> -> memref<10000xi32, #tpu.memory_space<hbm>>
      tpu.enqueue_dma source(%dma_start3A_462 : memref<10000xi32, #tpu.memory_space<hbm>>) target(%arg8 : memref<10000xi32, #tpu.memory_space<vmem>>) target_semaphore(%run_scoped3A : memref<!tpu.dma_semaphore, #tpu.memory_space<semaphore_mem>>)
      %dma_wait3A_463 = tpu.memref_slice %arg3[%mul3A_2] : memref<320000xi32, #tpu.memory_space<hbm>> -> memref<10000xi32, #tpu.memory_space<hbm>>
      %dma_wait3A_464 = tpu.memref_slice %arg3[%mul3A_2] : memref<320000xi32, #tpu.memory_space<hbm>> -> memref<10000xi32, #tpu.memory_space<hbm>>
      tpu.wait_dma2 semaphore(%run_scoped3A : memref<!tpu.dma_semaphore, #tpu.memory_space<semaphore_mem>>) src(%dma_wait3A_464 : memref<10000xi32, #tpu.memory_space<hbm>>) dst(%arg8 : memref<10000xi32, #tpu.memory_space<vmem>>)
      tpu.yield
    }) : () -> ()
    %dma_start3A = arith.constant 0 : i32
    %dma_start3A_3 = tpu.memref_slice %arg7[%dma_start3A] : memref<10000xi32, #tpu.memory_space<vmem>> -> memref<2000xi32, #tpu.memory_space<vmem>>
    %dma_start3A_4 = arith.constant 0 : i32
    %dma_start3A_5 = arith.constant 0 : i32
    %dma_start3A_6 = tpu.memref_slice %arg4[%dma_start3A_4, %dma_start3A_5] : memref<10000x16xf32, #tpu.memory_space<hbm>> -> memref<10000x16xf32, #tpu.memory_space<hbm>>
    tpu.enqueue_indirect_dma source(%dma_start3A_6 : memref<10000x16xf32, #tpu.memory_space<hbm>>) target(%arg9 : memref<2000x16xf32, #tpu.memory_space<vmem>>) offsets(%dma_start3A_3 : memref<2000xi32, #tpu.memory_space<vmem>>) semaphore(%arg11 : memref<!tpu.dma_semaphore, #tpu.memory_space<semaphore_mem>>)
    %dma_wait3A = arith.constant 0 : i32
    %dma_wait3A_7 = tpu.memref_slice %arg7[%dma_wait3A] : memref<10000xi32, #tpu.memory_space<vmem>> -> memref<2000xi32, #tpu.memory_space<vmem>>
    %dma_wait3A_8 = arith.constant 0 : i32
    %dma_wait3A_9 = arith.constant 0 : i32
    %dma_wait3A_10 = tpu.memref_slice %arg4[%dma_wait3A_8, %dma_wait3A_9] : memref<10000x16xf32, #tpu.memory_space<hbm>> -> memref<10000x16xf32, #tpu.memory_space<hbm>>
    tpu.wait_indirect_dma semaphore(%arg11 : memref<!tpu.dma_semaphore, #tpu.memory_space<semaphore_mem>>) src(%dma_wait3A_10 : memref<10000x16xf32, #tpu.memory_space<hbm>>) dst(%arg9 : memref<2000x16xf32, #tpu.memory_space<vmem>>)
    %dma_start3A_11 = arith.constant 0 : i32
    %dma_start3A_12 = tpu.memref_slice %arg8[%dma_start3A_11] : memref<10000xi32, #tpu.memory_space<vmem>> -> memref<2000xi32, #tpu.memory_space<vmem>>
    %dma_start3A_13 = arith.constant 0 : i32
    %dma_start3A_14 = arith.constant 0 : i32
    %dma_start3A_15 = tpu.memref_slice %arg5[%dma_start3A_13, %dma_start3A_14] : memref<10000x16xf32, #tpu.memory_space<hbm>> -> memref<10000x16xf32, #tpu.memory_space<hbm>>
    tpu.enqueue_indirect_dma source(%dma_start3A_15 : memref<10000x16xf32, #tpu.memory_space<hbm>>) target(%arg9 : memref<2000x16xf32, #tpu.memory_space<vmem>>) offsets(%dma_start3A_12 : memref<2000xi32, #tpu.memory_space<vmem>>) semaphore(%arg13 : memref<!tpu.dma_semaphore, #tpu.memory_space<semaphore_mem>>) {add = true}
    %dma_wait3A_16 = arith.constant 0 : i32
    %dma_wait3A_17 = tpu.memref_slice %arg8[%dma_wait3A_16] : memref<10000xi32, #tpu.memory_space<vmem>> -> memref<2000xi32, #tpu.memory_space<vmem>>
    %dma_wait3A_18 = arith.constant 0 : i32
    %dma_wait3A_19 = arith.constant 0 : i32
    %dma_wait3A_20 = tpu.memref_slice %arg5[%dma_wait3A_18, %dma_wait3A_19] : memref<10000x16xf32, #tpu.memory_space<hbm>> -> memref<10000x16xf32, #tpu.memory_space<hbm>>
    tpu.wait_indirect_dma semaphore(%arg13 : memref<!tpu.dma_semaphore, #tpu.memory_space<semaphore_mem>>) src(%dma_wait3A_20 : memref<10000x16xf32, #tpu.memory_space<hbm>>) dst(%arg9 : memref<2000x16xf32, #tpu.memory_space<vmem>>)
    %dma_start3A_21 = arith.constant 2000 : i32
    %dma_start3A_22 = tpu.memref_slice %arg7[%dma_start3A_21] : memref<10000xi32, #tpu.memory_space<vmem>> -> memref<2000xi32, #tpu.memory_space<vmem>>
    %dma_start3A_23 = arith.constant 0 : i32
    %dma_start3A_24 = arith.constant 0 : i32
    %dma_start3A_25 = tpu.memref_slice %arg4[%dma_start3A_23, %dma_start3A_24] : memref<10000x16xf32, #tpu.memory_space<hbm>> -> memref<10000x16xf32, #tpu.memory_space<hbm>>
    tpu.enqueue_indirect_dma source(%dma_start3A_25 : memref<10000x16xf32, #tpu.memory_space<hbm>>) target(%arg10 : memref<2000x16xf32, #tpu.memory_space<vmem>>) offsets(%dma_start3A_22 : memref<2000xi32, #tpu.memory_space<vmem>>) semaphore(%arg12 : memref<!tpu.dma_semaphore, #tpu.memory_space<semaphore_mem>>)
    %add3A_26 = arith.constant 0 : i32
    %add3A_27 = arith.addi %mul3A_2, %add3A_26 : i32
    %jit3A = arith.constant 2000 : i32
    %div3A = arith.divsi %add3A_27, %jit3A : i32
    %sign3A = arith.constant 0 : i32
    %sign3A_28 = arith.cmpi sgt, %add3A_27, %sign3A : i32
    %sign3A_29 = arith.extui %sign3A_28 : i1 to i32
    %sign3A_30 = arith.constant 0 : i32
    %sign3A_31 = arith.cmpi slt, %add3A_27, %sign3A_30 : i32
    %sign3A_32 = arith.extui %sign3A_31 : i1 to i32
    %sign3A_33 = arith.subi %sign3A_29, %sign3A_32 : i32
    %sign3A_34 = arith.constant 0 : i32
    %sign3A_35 = arith.cmpi sgt, %jit3A, %sign3A_34 : i32
    %sign3A_36 = arith.extui %sign3A_35 : i1 to i32
    %sign3A_37 = arith.constant 0 : i32
    %sign3A_38 = arith.cmpi slt, %jit3A, %sign3A_37 : i32
    %sign3A_39 = arith.extui %sign3A_38 : i1 to i32
    %sign3A_40 = arith.subi %sign3A_36, %sign3A_39 : i32
    %ne3A = arith.cmpi ne, %sign3A_33, %sign3A_40 : i32
    %rem3A = arith.remsi %add3A_27, %jit3A : i32
    %ne3A_41 = arith.constant 0 : i32
    %ne3A_42 = arith.cmpi ne, %rem3A, %ne3A_41 : i32
    %and3A = arith.andi %ne3A, %ne3A_42 : i1
    %sub3A = arith.constant 1 : i32
    %sub3A_43 = arith.subi %div3A, %sub3A : i32
    %select_n3A = arith.select %and3A, %sub3A_43, %div3A : i32
    %jit3A_44 = arith.constant 8 : i32
    %div3A_45 = arith.divsi %select_n3A, %jit3A_44 : i32
    %sign3A_46 = arith.constant 0 : i32
    %sign3A_47 = arith.cmpi sgt, %select_n3A, %sign3A_46 : i32
    %sign3A_48 = arith.extui %sign3A_47 : i1 to i32
    %sign3A_49 = arith.constant 0 : i32
    %sign3A_50 = arith.cmpi slt, %select_n3A, %sign3A_49 : i32
    %sign3A_51 = arith.extui %sign3A_50 : i1 to i32
    %sign3A_52 = arith.subi %sign3A_48, %sign3A_51 : i32
    %sign3A_53 = arith.constant 0 : i32
    %sign3A_54 = arith.cmpi sgt, %jit3A_44, %sign3A_53 : i32
    %sign3A_55 = arith.extui %sign3A_54 : i1 to i32
    %sign3A_56 = arith.constant 0 : i32
    %sign3A_57 = arith.cmpi slt, %jit3A_44, %sign3A_56 : i32
    %sign3A_58 = arith.extui %sign3A_57 : i1 to i32
    %sign3A_59 = arith.subi %sign3A_55, %sign3A_58 : i32
    %ne3A_60 = arith.cmpi ne, %sign3A_52, %sign3A_59 : i32
    %rem3A_61 = arith.remsi %select_n3A, %jit3A_44 : i32
    %ne3A_62 = arith.constant 0 : i32
    %ne3A_63 = arith.cmpi ne, %rem3A_61, %ne3A_62 : i32
    %and3A_64 = arith.andi %ne3A_60, %ne3A_63 : i1
    %sub3A_65 = arith.constant 1 : i32
    %sub3A_66 = arith.subi %div3A_45, %sub3A_65 : i32
    %select_n3A_67 = arith.select %and3A_64, %sub3A_66, %div3A_45 : i32
    %mul3A_68 = arith.constant 2000 : i32
    %mul3A_69 = arith.muli %select_n3A_67, %mul3A_68 : i32
    %jit3A_70 = arith.constant 8 : i32
    %eq3A = arith.constant 0 : i32
    %eq3A_71 = arith.cmpi eq, %jit3A_70, %eq3A : i32
    %jit3A_72 = arith.constant 1 : i32
    %select_n3A_73 = arith.select %eq3A_71, %jit3A_72, %jit3A_70 : i32
    %rem3A_74 = arith.remsi %select_n3A, %select_n3A_73 : i32
    %ne3A_75 = arith.constant 0 : i32
    %ne3A_76 = arith.cmpi ne, %rem3A_74, %ne3A_75 : i32
    %lt3A = arith.constant 0 : i32
    %lt3A_77 = arith.cmpi slt, %rem3A_74, %lt3A : i32
    %lt3A_78 = arith.constant 0 : i32
    %lt3A_79 = arith.cmpi slt, %select_n3A_73, %lt3A_78 : i32
    %ne3A_80 = arith.xori %lt3A_77, %lt3A_79 : i1
    %and3A_81 = arith.andi %ne3A_80, %ne3A_76 : i1
    %add3A_82 = arith.addi %rem3A_74, %select_n3A_73 : i32
    %select_n3A_83 = arith.select %and3A_81, %add3A_82, %rem3A_74 : i32
    %mul3A_84 = arith.constant 16 : i32
    %mul3A_85 = arith.muli %select_n3A_83, %mul3A_84 : i32
    %dma_start3A_86 = tpu.memref_slice %arg6[%mul3A_69, %mul3A_85] : memref<40000x128xf32, #tpu.memory_space<hbm>> -> memref<2000x16xf32, #tpu.memory_space<hbm>>
    %dma_start3A_87 = tpu.memref_slice %arg6[%mul3A_69, %mul3A_85] : memref<40000x128xf32, #tpu.memory_space<hbm>> -> memref<2000x16xf32, #tpu.memory_space<hbm>>
    tpu.enqueue_dma source(%arg9 : memref<2000x16xf32, #tpu.memory_space<vmem>>) target(%dma_start3A_87 : memref<2000x16xf32, #tpu.memory_space<hbm>>) target_semaphore(%arg15 : memref<!tpu.dma_semaphore, #tpu.memory_space<semaphore_mem>>)
    %dma_wait3A_88 = arith.constant 2000 : i32
    %dma_wait3A_89 = tpu.memref_slice %arg7[%dma_wait3A_88] : memref<10000xi32, #tpu.memory_space<vmem>> -> memref<2000xi32, #tpu.memory_space<vmem>>
    %dma_wait3A_90 = arith.constant 0 : i32
    %dma_wait3A_91 = arith.constant 0 : i32
    %dma_wait3A_92 = tpu.memref_slice %arg4[%dma_wait3A_90, %dma_wait3A_91] : memref<10000x16xf32, #tpu.memory_space<hbm>> -> memref<10000x16xf32, #tpu.memory_space<hbm>>
    tpu.wait_indirect_dma semaphore(%arg12 : memref<!tpu.dma_semaphore, #tpu.memory_space<semaphore_mem>>) src(%dma_wait3A_92 : memref<10000x16xf32, #tpu.memory_space<hbm>>) dst(%arg10 : memref<2000x16xf32, #tpu.memory_space<vmem>>)
    %dma_start3A_93 = arith.constant 2000 : i32
    %dma_start3A_94 = tpu.memref_slice %arg8[%dma_start3A_93] : memref<10000xi32, #tpu.memory_space<vmem>> -> memref<2000xi32, #tpu.memory_space<vmem>>
    %dma_start3A_95 = arith.constant 0 : i32
    %dma_start3A_96 = arith.constant 0 : i32
    %dma_start3A_97 = tpu.memref_slice %arg5[%dma_start3A_95, %dma_start3A_96] : memref<10000x16xf32, #tpu.memory_space<hbm>> -> memref<10000x16xf32, #tpu.memory_space<hbm>>
    tpu.enqueue_indirect_dma source(%dma_start3A_97 : memref<10000x16xf32, #tpu.memory_space<hbm>>) target(%arg10 : memref<2000x16xf32, #tpu.memory_space<vmem>>) offsets(%dma_start3A_94 : memref<2000xi32, #tpu.memory_space<vmem>>) semaphore(%arg14 : memref<!tpu.dma_semaphore, #tpu.memory_space<semaphore_mem>>) {add = true}
    %dma_wait3A_98 = arith.constant 2000 : i32
    %dma_wait3A_99 = tpu.memref_slice %arg8[%dma_wait3A_98] : memref<10000xi32, #tpu.memory_space<vmem>> -> memref<2000xi32, #tpu.memory_space<vmem>>
    %dma_wait3A_100 = arith.constant 0 : i32
    %dma_wait3A_101 = arith.constant 0 : i32
    %dma_wait3A_102 = tpu.memref_slice %arg5[%dma_wait3A_100, %dma_wait3A_101] : memref<10000x16xf32, #tpu.memory_space<hbm>> -> memref<10000x16xf32, #tpu.memory_space<hbm>>
    tpu.wait_indirect_dma semaphore(%arg14 : memref<!tpu.dma_semaphore, #tpu.memory_space<semaphore_mem>>) src(%dma_wait3A_102 : memref<10000x16xf32, #tpu.memory_space<hbm>>) dst(%arg10 : memref<2000x16xf32, #tpu.memory_space<vmem>>)
    %dma_wait3A_103 = tpu.memref_slice %arg6[%mul3A_69, %mul3A_85] : memref<40000x128xf32, #tpu.memory_space<hbm>> -> memref<2000x16xf32, #tpu.memory_space<hbm>>
    %dma_wait3A_104 = tpu.memref_slice %arg6[%mul3A_69, %mul3A_85] : memref<40000x128xf32, #tpu.memory_space<hbm>> -> memref<2000x16xf32, #tpu.memory_space<hbm>>
    tpu.wait_dma2 semaphore(%arg15 : memref<!tpu.dma_semaphore, #tpu.memory_space<semaphore_mem>>) src(%arg9 : memref<2000x16xf32, #tpu.memory_space<vmem>>) dst(%dma_wait3A_104 : memref<2000x16xf32, #tpu.memory_space<hbm>>)
    %dma_start3A_105 = arith.constant 4000 : i32
    %dma_start3A_106 = tpu.memref_slice %arg7[%dma_start3A_105] : memref<10000xi32, #tpu.memory_space<vmem>> -> memref<2000xi32, #tpu.memory_space<vmem>>
    %dma_start3A_107 = arith.constant 0 : i32
    %dma_start3A_108 = arith.constant 0 : i32
    %dma_start3A_109 = tpu.memref_slice %arg4[%dma_start3A_107, %dma_start3A_108] : memref<10000x16xf32, #tpu.memory_space<hbm>> -> memref<10000x16xf32, #tpu.memory_space<hbm>>
    tpu.enqueue_indirect_dma source(%dma_start3A_109 : memref<10000x16xf32, #tpu.memory_space<hbm>>) target(%arg9 : memref<2000x16xf32, #tpu.memory_space<vmem>>) offsets(%dma_start3A_106 : memref<2000xi32, #tpu.memory_space<vmem>>) semaphore(%arg11 : memref<!tpu.dma_semaphore, #tpu.memory_space<semaphore_mem>>)
    %add3A_110 = arith.constant 2000 : i32
    %add3A_111 = arith.addi %mul3A_2, %add3A_110 : i32
    %jit3A_112 = arith.constant 2000 : i32
    %div3A_113 = arith.divsi %add3A_111, %jit3A_112 : i32
    %sign3A_114 = arith.constant 0 : i32
    %sign3A_115 = arith.cmpi sgt, %add3A_111, %sign3A_114 : i32
    %sign3A_116 = arith.extui %sign3A_115 : i1 to i32
    %sign3A_117 = arith.constant 0 : i32
    %sign3A_118 = arith.cmpi slt, %add3A_111, %sign3A_117 : i32
    %sign3A_119 = arith.extui %sign3A_118 : i1 to i32
    %sign3A_120 = arith.subi %sign3A_116, %sign3A_119 : i32
    %sign3A_121 = arith.constant 0 : i32
    %sign3A_122 = arith.cmpi sgt, %jit3A_112, %sign3A_121 : i32
    %sign3A_123 = arith.extui %sign3A_122 : i1 to i32
    %sign3A_124 = arith.constant 0 : i32
    %sign3A_125 = arith.cmpi slt, %jit3A_112, %sign3A_124 : i32
    %sign3A_126 = arith.extui %sign3A_125 : i1 to i32
    %sign3A_127 = arith.subi %sign3A_123, %sign3A_126 : i32
    %ne3A_128 = arith.cmpi ne, %sign3A_120, %sign3A_127 : i32
    %rem3A_129 = arith.remsi %add3A_111, %jit3A_112 : i32
    %ne3A_130 = arith.constant 0 : i32
    %ne3A_131 = arith.cmpi ne, %rem3A_129, %ne3A_130 : i32
    %and3A_132 = arith.andi %ne3A_128, %ne3A_131 : i1
    %sub3A_133 = arith.constant 1 : i32
    %sub3A_134 = arith.subi %div3A_113, %sub3A_133 : i32
    %select_n3A_135 = arith.select %and3A_132, %sub3A_134, %div3A_113 : i32
    %jit3A_136 = arith.constant 8 : i32
    %div3A_137 = arith.divsi %select_n3A_135, %jit3A_136 : i32
    %sign3A_138 = arith.constant 0 : i32
    %sign3A_139 = arith.cmpi sgt, %select_n3A_135, %sign3A_138 : i32
    %sign3A_140 = arith.extui %sign3A_139 : i1 to i32
    %sign3A_141 = arith.constant 0 : i32
    %sign3A_142 = arith.cmpi slt, %select_n3A_135, %sign3A_141 : i32
    %sign3A_143 = arith.extui %sign3A_142 : i1 to i32
    %sign3A_144 = arith.subi %sign3A_140, %sign3A_143 : i32
    %sign3A_145 = arith.constant 0 : i32
    %sign3A_146 = arith.cmpi sgt, %jit3A_136, %sign3A_145 : i32
    %sign3A_147 = arith.extui %sign3A_146 : i1 to i32
    %sign3A_148 = arith.constant 0 : i32
    %sign3A_149 = arith.cmpi slt, %jit3A_136, %sign3A_148 : i32
    %sign3A_150 = arith.extui %sign3A_149 : i1 to i32
    %sign3A_151 = arith.subi %sign3A_147, %sign3A_150 : i32
    %ne3A_152 = arith.cmpi ne, %sign3A_144, %sign3A_151 : i32
    %rem3A_153 = arith.remsi %select_n3A_135, %jit3A_136 : i32
    %ne3A_154 = arith.constant 0 : i32
    %ne3A_155 = arith.cmpi ne, %rem3A_153, %ne3A_154 : i32
    %and3A_156 = arith.andi %ne3A_152, %ne3A_155 : i1
    %sub3A_157 = arith.constant 1 : i32
    %sub3A_158 = arith.subi %div3A_137, %sub3A_157 : i32
    %select_n3A_159 = arith.select %and3A_156, %sub3A_158, %div3A_137 : i32
    %mul3A_160 = arith.constant 2000 : i32
    %mul3A_161 = arith.muli %select_n3A_159, %mul3A_160 : i32
    %jit3A_162 = arith.constant 8 : i32
    %eq3A_163 = arith.constant 0 : i32
    %eq3A_164 = arith.cmpi eq, %jit3A_162, %eq3A_163 : i32
    %jit3A_165 = arith.constant 1 : i32
    %select_n3A_166 = arith.select %eq3A_164, %jit3A_165, %jit3A_162 : i32
    %rem3A_167 = arith.remsi %select_n3A_135, %select_n3A_166 : i32
    %ne3A_168 = arith.constant 0 : i32
    %ne3A_169 = arith.cmpi ne, %rem3A_167, %ne3A_168 : i32
    %lt3A_170 = arith.constant 0 : i32
    %lt3A_171 = arith.cmpi slt, %rem3A_167, %lt3A_170 : i32
    %lt3A_172 = arith.constant 0 : i32
    %lt3A_173 = arith.cmpi slt, %select_n3A_166, %lt3A_172 : i32
    %ne3A_174 = arith.xori %lt3A_171, %lt3A_173 : i1
    %and3A_175 = arith.andi %ne3A_174, %ne3A_169 : i1
    %add3A_176 = arith.addi %rem3A_167, %select_n3A_166 : i32
    %select_n3A_177 = arith.select %and3A_175, %add3A_176, %rem3A_167 : i32
    %mul3A_178 = arith.constant 16 : i32
    %mul3A_179 = arith.muli %select_n3A_177, %mul3A_178 : i32
    %dma_start3A_180 = tpu.memref_slice %arg6[%mul3A_161, %mul3A_179] : memref<40000x128xf32, #tpu.memory_space<hbm>> -> memref<2000x16xf32, #tpu.memory_space<hbm>>
    %dma_start3A_181 = tpu.memref_slice %arg6[%mul3A_161, %mul3A_179] : memref<40000x128xf32, #tpu.memory_space<hbm>> -> memref<2000x16xf32, #tpu.memory_space<hbm>>
    tpu.enqueue_dma source(%arg10 : memref<2000x16xf32, #tpu.memory_space<vmem>>) target(%dma_start3A_181 : memref<2000x16xf32, #tpu.memory_space<hbm>>) target_semaphore(%arg16 : memref<!tpu.dma_semaphore, #tpu.memory_space<semaphore_mem>>)
    %dma_wait3A_182 = arith.constant 4000 : i32
    %dma_wait3A_183 = tpu.memref_slice %arg7[%dma_wait3A_182] : memref<10000xi32, #tpu.memory_space<vmem>> -> memref<2000xi32, #tpu.memory_space<vmem>>
    %dma_wait3A_184 = arith.constant 0 : i32
    %dma_wait3A_185 = arith.constant 0 : i32
    %dma_wait3A_186 = tpu.memref_slice %arg4[%dma_wait3A_184, %dma_wait3A_185] : memref<10000x16xf32, #tpu.memory_space<hbm>> -> memref<10000x16xf32, #tpu.memory_space<hbm>>
    tpu.wait_indirect_dma semaphore(%arg11 : memref<!tpu.dma_semaphore, #tpu.memory_space<semaphore_mem>>) src(%dma_wait3A_186 : memref<10000x16xf32, #tpu.memory_space<hbm>>) dst(%arg9 : memref<2000x16xf32, #tpu.memory_space<vmem>>)
    %dma_start3A_187 = arith.constant 4000 : i32
    %dma_start3A_188 = tpu.memref_slice %arg8[%dma_start3A_187] : memref<10000xi32, #tpu.memory_space<vmem>> -> memref<2000xi32, #tpu.memory_space<vmem>>
    %dma_start3A_189 = arith.constant 0 : i32
    %dma_start3A_190 = arith.constant 0 : i32
    %dma_start3A_191 = tpu.memref_slice %arg5[%dma_start3A_189, %dma_start3A_190] : memref<10000x16xf32, #tpu.memory_space<hbm>> -> memref<10000x16xf32, #tpu.memory_space<hbm>>
    tpu.enqueue_indirect_dma source(%dma_start3A_191 : memref<10000x16xf32, #tpu.memory_space<hbm>>) target(%arg9 : memref<2000x16xf32, #tpu.memory_space<vmem>>) offsets(%dma_start3A_188 : memref<2000xi32, #tpu.memory_space<vmem>>) semaphore(%arg13 : memref<!tpu.dma_semaphore, #tpu.memory_space<semaphore_mem>>) {add = true}
    %dma_wait3A_192 = arith.constant 4000 : i32
    %dma_wait3A_193 = tpu.memref_slice %arg8[%dma_wait3A_192] : memref<10000xi32, #tpu.memory_space<vmem>> -> memref<2000xi32, #tpu.memory_space<vmem>>
    %dma_wait3A_194 = arith.constant 0 : i32
    %dma_wait3A_195 = arith.constant 0 : i32
    %dma_wait3A_196 = tpu.memref_slice %arg5[%dma_wait3A_194, %dma_wait3A_195] : memref<10000x16xf32, #tpu.memory_space<hbm>> -> memref<10000x16xf32, #tpu.memory_space<hbm>>
    tpu.wait_indirect_dma semaphore(%arg13 : memref<!tpu.dma_semaphore, #tpu.memory_space<semaphore_mem>>) src(%dma_wait3A_196 : memref<10000x16xf32, #tpu.memory_space<hbm>>) dst(%arg9 : memref<2000x16xf32, #tpu.memory_space<vmem>>)
    %dma_wait3A_197 = tpu.memref_slice %arg6[%mul3A_161, %mul3A_179] : memref<40000x128xf32, #tpu.memory_space<hbm>> -> memref<2000x16xf32, #tpu.memory_space<hbm>>
    %dma_wait3A_198 = tpu.memref_slice %arg6[%mul3A_161, %mul3A_179] : memref<40000x128xf32, #tpu.memory_space<hbm>> -> memref<2000x16xf32, #tpu.memory_space<hbm>>
    tpu.wait_dma2 semaphore(%arg16 : memref<!tpu.dma_semaphore, #tpu.memory_space<semaphore_mem>>) src(%arg10 : memref<2000x16xf32, #tpu.memory_space<vmem>>) dst(%dma_wait3A_198 : memref<2000x16xf32, #tpu.memory_space<hbm>>)
    %dma_start3A_199 = arith.constant 6000 : i32
    %dma_start3A_200 = tpu.memref_slice %arg7[%dma_start3A_199] : memref<10000xi32, #tpu.memory_space<vmem>> -> memref<2000xi32, #tpu.memory_space<vmem>>
    %dma_start3A_201 = arith.constant 0 : i32
    %dma_start3A_202 = arith.constant 0 : i32
    %dma_start3A_203 = tpu.memref_slice %arg4[%dma_start3A_201, %dma_start3A_202] : memref<10000x16xf32, #tpu.memory_space<hbm>> -> memref<10000x16xf32, #tpu.memory_space<hbm>>
    tpu.enqueue_indirect_dma source(%dma_start3A_203 : memref<10000x16xf32, #tpu.memory_space<hbm>>) target(%arg10 : memref<2000x16xf32, #tpu.memory_space<vmem>>) offsets(%dma_start3A_200 : memref<2000xi32, #tpu.memory_space<vmem>>) semaphore(%arg12 : memref<!tpu.dma_semaphore, #tpu.memory_space<semaphore_mem>>)
    %add3A_204 = arith.constant 4000 : i32
    %add3A_205 = arith.addi %mul3A_2, %add3A_204 : i32
    %jit3A_206 = arith.constant 2000 : i32
    %div3A_207 = arith.divsi %add3A_205, %jit3A_206 : i32
    %sign3A_208 = arith.constant 0 : i32
    %sign3A_209 = arith.cmpi sgt, %add3A_205, %sign3A_208 : i32
    %sign3A_210 = arith.extui %sign3A_209 : i1 to i32
    %sign3A_211 = arith.constant 0 : i32
    %sign3A_212 = arith.cmpi slt, %add3A_205, %sign3A_211 : i32
    %sign3A_213 = arith.extui %sign3A_212 : i1 to i32
    %sign3A_214 = arith.subi %sign3A_210, %sign3A_213 : i32
    %sign3A_215 = arith.constant 0 : i32
    %sign3A_216 = arith.cmpi sgt, %jit3A_206, %sign3A_215 : i32
    %sign3A_217 = arith.extui %sign3A_216 : i1 to i32
    %sign3A_218 = arith.constant 0 : i32
    %sign3A_219 = arith.cmpi slt, %jit3A_206, %sign3A_218 : i32
    %sign3A_220 = arith.extui %sign3A_219 : i1 to i32
    %sign3A_221 = arith.subi %sign3A_217, %sign3A_220 : i32
    %ne3A_222 = arith.cmpi ne, %sign3A_214, %sign3A_221 : i32
    %rem3A_223 = arith.remsi %add3A_205, %jit3A_206 : i32
    %ne3A_224 = arith.constant 0 : i32
    %ne3A_225 = arith.cmpi ne, %rem3A_223, %ne3A_224 : i32
    %and3A_226 = arith.andi %ne3A_222, %ne3A_225 : i1
    %sub3A_227 = arith.constant 1 : i32
    %sub3A_228 = arith.subi %div3A_207, %sub3A_227 : i32
    %select_n3A_229 = arith.select %and3A_226, %sub3A_228, %div3A_207 : i32
    %jit3A_230 = arith.constant 8 : i32
    %div3A_231 = arith.divsi %select_n3A_229, %jit3A_230 : i32
    %sign3A_232 = arith.constant 0 : i32
    %sign3A_233 = arith.cmpi sgt, %select_n3A_229, %sign3A_232 : i32
    %sign3A_234 = arith.extui %sign3A_233 : i1 to i32
    %sign3A_235 = arith.constant 0 : i32
    %sign3A_236 = arith.cmpi slt, %select_n3A_229, %sign3A_235 : i32
    %sign3A_237 = arith.extui %sign3A_236 : i1 to i32
    %sign3A_238 = arith.subi %sign3A_234, %sign3A_237 : i32
    %sign3A_239 = arith.constant 0 : i32
    %sign3A_240 = arith.cmpi sgt, %jit3A_230, %sign3A_239 : i32
    %sign3A_241 = arith.extui %sign3A_240 : i1 to i32
    %sign3A_242 = arith.constant 0 : i32
    %sign3A_243 = arith.cmpi slt, %jit3A_230, %sign3A_242 : i32
    %sign3A_244 = arith.extui %sign3A_243 : i1 to i32
    %sign3A_245 = arith.subi %sign3A_241, %sign3A_244 : i32
    %ne3A_246 = arith.cmpi ne, %sign3A_238, %sign3A_245 : i32
    %rem3A_247 = arith.remsi %select_n3A_229, %jit3A_230 : i32
    %ne3A_248 = arith.constant 0 : i32
    %ne3A_249 = arith.cmpi ne, %rem3A_247, %ne3A_248 : i32
    %and3A_250 = arith.andi %ne3A_246, %ne3A_249 : i1
    %sub3A_251 = arith.constant 1 : i32
    %sub3A_252 = arith.subi %div3A_231, %sub3A_251 : i32
    %select_n3A_253 = arith.select %and3A_250, %sub3A_252, %div3A_231 : i32
    %mul3A_254 = arith.constant 2000 : i32
    %mul3A_255 = arith.muli %select_n3A_253, %mul3A_254 : i32
    %jit3A_256 = arith.constant 8 : i32
    %eq3A_257 = arith.constant 0 : i32
    %eq3A_258 = arith.cmpi eq, %jit3A_256, %eq3A_257 : i32
    %jit3A_259 = arith.constant 1 : i32
    %select_n3A_260 = arith.select %eq3A_258, %jit3A_259, %jit3A_256 : i32
    %rem3A_261 = arith.remsi %select_n3A_229, %select_n3A_260 : i32
    %ne3A_262 = arith.constant 0 : i32
    %ne3A_263 = arith.cmpi ne, %rem3A_261, %ne3A_262 : i32
    %lt3A_264 = arith.constant 0 : i32
    %lt3A_265 = arith.cmpi slt, %rem3A_261, %lt3A_264 : i32
    %lt3A_266 = arith.constant 0 : i32
    %lt3A_267 = arith.cmpi slt, %select_n3A_260, %lt3A_266 : i32
    %ne3A_268 = arith.xori %lt3A_265, %lt3A_267 : i1
    %and3A_269 = arith.andi %ne3A_268, %ne3A_263 : i1
    %add3A_270 = arith.addi %rem3A_261, %select_n3A_260 : i32
    %select_n3A_271 = arith.select %and3A_269, %add3A_270, %rem3A_261 : i32
    %mul3A_272 = arith.constant 16 : i32
    %mul3A_273 = arith.muli %select_n3A_271, %mul3A_272 : i32
    %dma_start3A_274 = tpu.memref_slice %arg6[%mul3A_255, %mul3A_273] : memref<40000x128xf32, #tpu.memory_space<hbm>> -> memref<2000x16xf32, #tpu.memory_space<hbm>>
    %dma_start3A_275 = tpu.memref_slice %arg6[%mul3A_255, %mul3A_273] : memref<40000x128xf32, #tpu.memory_space<hbm>> -> memref<2000x16xf32, #tpu.memory_space<hbm>>
    tpu.enqueue_dma source(%arg9 : memref<2000x16xf32, #tpu.memory_space<vmem>>) target(%dma_start3A_275 : memref<2000x16xf32, #tpu.memory_space<hbm>>) target_semaphore(%arg15 : memref<!tpu.dma_semaphore, #tpu.memory_space<semaphore_mem>>)
    %dma_wait3A_276 = arith.constant 6000 : i32
    %dma_wait3A_277 = tpu.memref_slice %arg7[%dma_wait3A_276] : memref<10000xi32, #tpu.memory_space<vmem>> -> memref<2000xi32, #tpu.memory_space<vmem>>
    %dma_wait3A_278 = arith.constant 0 : i32
    %dma_wait3A_279 = arith.constant 0 : i32
    %dma_wait3A_280 = tpu.memref_slice %arg4[%dma_wait3A_278, %dma_wait3A_279] : memref<10000x16xf32, #tpu.memory_space<hbm>> -> memref<10000x16xf32, #tpu.memory_space<hbm>>
    tpu.wait_indirect_dma semaphore(%arg12 : memref<!tpu.dma_semaphore, #tpu.memory_space<semaphore_mem>>) src(%dma_wait3A_280 : memref<10000x16xf32, #tpu.memory_space<hbm>>) dst(%arg10 : memref<2000x16xf32, #tpu.memory_space<vmem>>)
    %dma_start3A_281 = arith.constant 6000 : i32
    %dma_start3A_282 = tpu.memref_slice %arg8[%dma_start3A_281] : memref<10000xi32, #tpu.memory_space<vmem>> -> memref<2000xi32, #tpu.memory_space<vmem>>
    %dma_start3A_283 = arith.constant 0 : i32
    %dma_start3A_284 = arith.constant 0 : i32
    %dma_start3A_285 = tpu.memref_slice %arg5[%dma_start3A_283, %dma_start3A_284] : memref<10000x16xf32, #tpu.memory_space<hbm>> -> memref<10000x16xf32, #tpu.memory_space<hbm>>
    tpu.enqueue_indirect_dma source(%dma_start3A_285 : memref<10000x16xf32, #tpu.memory_space<hbm>>) target(%arg10 : memref<2000x16xf32, #tpu.memory_space<vmem>>) offsets(%dma_start3A_282 : memref<2000xi32, #tpu.memory_space<vmem>>) semaphore(%arg14 : memref<!tpu.dma_semaphore, #tpu.memory_space<semaphore_mem>>) {add = true}
    %dma_wait3A_286 = arith.constant 6000 : i32
    %dma_wait3A_287 = tpu.memref_slice %arg8[%dma_wait3A_286] : memref<10000xi32, #tpu.memory_space<vmem>> -> memref<2000xi32, #tpu.memory_space<vmem>>
    %dma_wait3A_288 = arith.constant 0 : i32
    %dma_wait3A_289 = arith.constant 0 : i32
    %dma_wait3A_290 = tpu.memref_slice %arg5[%dma_wait3A_288, %dma_wait3A_289] : memref<10000x16xf32, #tpu.memory_space<hbm>> -> memref<10000x16xf32, #tpu.memory_space<hbm>>
    tpu.wait_indirect_dma semaphore(%arg14 : memref<!tpu.dma_semaphore, #tpu.memory_space<semaphore_mem>>) src(%dma_wait3A_290 : memref<10000x16xf32, #tpu.memory_space<hbm>>) dst(%arg10 : memref<2000x16xf32, #tpu.memory_space<vmem>>)
    %dma_wait3A_291 = tpu.memref_slice %arg6[%mul3A_255, %mul3A_273] : memref<40000x128xf32, #tpu.memory_space<hbm>> -> memref<2000x16xf32, #tpu.memory_space<hbm>>
    %dma_wait3A_292 = tpu.memref_slice %arg6[%mul3A_255, %mul3A_273] : memref<40000x128xf32, #tpu.memory_space<hbm>> -> memref<2000x16xf32, #tpu.memory_space<hbm>>
    tpu.wait_dma2 semaphore(%arg15 : memref<!tpu.dma_semaphore, #tpu.memory_space<semaphore_mem>>) src(%arg9 : memref<2000x16xf32, #tpu.memory_space<vmem>>) dst(%dma_wait3A_292 : memref<2000x16xf32, #tpu.memory_space<hbm>>)
    %dma_start3A_293 = arith.constant 8000 : i32
    %dma_start3A_294 = tpu.memref_slice %arg7[%dma_start3A_293] : memref<10000xi32, #tpu.memory_space<vmem>> -> memref<2000xi32, #tpu.memory_space<vmem>>
    %dma_start3A_295 = arith.constant 0 : i32
    %dma_start3A_296 = arith.constant 0 : i32
    %dma_start3A_297 = tpu.memref_slice %arg4[%dma_start3A_295, %dma_start3A_296] : memref<10000x16xf32, #tpu.memory_space<hbm>> -> memref<10000x16xf32, #tpu.memory_space<hbm>>
    tpu.enqueue_indirect_dma source(%dma_start3A_297 : memref<10000x16xf32, #tpu.memory_space<hbm>>) target(%arg9 : memref<2000x16xf32, #tpu.memory_space<vmem>>) offsets(%dma_start3A_294 : memref<2000xi32, #tpu.memory_space<vmem>>) semaphore(%arg11 : memref<!tpu.dma_semaphore, #tpu.memory_space<semaphore_mem>>)
    %add3A_298 = arith.constant 6000 : i32
    %add3A_299 = arith.addi %mul3A_2, %add3A_298 : i32
    %jit3A_300 = arith.constant 2000 : i32
    %div3A_301 = arith.divsi %add3A_299, %jit3A_300 : i32
    %sign3A_302 = arith.constant 0 : i32
    %sign3A_303 = arith.cmpi sgt, %add3A_299, %sign3A_302 : i32
    %sign3A_304 = arith.extui %sign3A_303 : i1 to i32
    %sign3A_305 = arith.constant 0 : i32
    %sign3A_306 = arith.cmpi slt, %add3A_299, %sign3A_305 : i32
    %sign3A_307 = arith.extui %sign3A_306 : i1 to i32
    %sign3A_308 = arith.subi %sign3A_304, %sign3A_307 : i32
    %sign3A_309 = arith.constant 0 : i32
    %sign3A_310 = arith.cmpi sgt, %jit3A_300, %sign3A_309 : i32
    %sign3A_311 = arith.extui %sign3A_310 : i1 to i32
    %sign3A_312 = arith.constant 0 : i32
    %sign3A_313 = arith.cmpi slt, %jit3A_300, %sign3A_312 : i32
    %sign3A_314 = arith.extui %sign3A_313 : i1 to i32
    %sign3A_315 = arith.subi %sign3A_311, %sign3A_314 : i32
    %ne3A_316 = arith.cmpi ne, %sign3A_308, %sign3A_315 : i32
    %rem3A_317 = arith.remsi %add3A_299, %jit3A_300 : i32
    %ne3A_318 = arith.constant 0 : i32
    %ne3A_319 = arith.cmpi ne, %rem3A_317, %ne3A_318 : i32
    %and3A_320 = arith.andi %ne3A_316, %ne3A_319 : i1
    %sub3A_321 = arith.constant 1 : i32
    %sub3A_322 = arith.subi %div3A_301, %sub3A_321 : i32
    %select_n3A_323 = arith.select %and3A_320, %sub3A_322, %div3A_301 : i32
    %jit3A_324 = arith.constant 8 : i32
    %div3A_325 = arith.divsi %select_n3A_323, %jit3A_324 : i32
    %sign3A_326 = arith.constant 0 : i32
    %sign3A_327 = arith.cmpi sgt, %select_n3A_323, %sign3A_326 : i32
    %sign3A_328 = arith.extui %sign3A_327 : i1 to i32
    %sign3A_329 = arith.constant 0 : i32
    %sign3A_330 = arith.cmpi slt, %select_n3A_323, %sign3A_329 : i32
    %sign3A_331 = arith.extui %sign3A_330 : i1 to i32
    %sign3A_332 = arith.subi %sign3A_328, %sign3A_331 : i32
    %sign3A_333 = arith.constant 0 : i32
    %sign3A_334 = arith.cmpi sgt, %jit3A_324, %sign3A_333 : i32
    %sign3A_335 = arith.extui %sign3A_334 : i1 to i32
    %sign3A_336 = arith.constant 0 : i32
    %sign3A_337 = arith.cmpi slt, %jit3A_324, %sign3A_336 : i32
    %sign3A_338 = arith.extui %sign3A_337 : i1 to i32
    %sign3A_339 = arith.subi %sign3A_335, %sign3A_338 : i32
    %ne3A_340 = arith.cmpi ne, %sign3A_332, %sign3A_339 : i32
    %rem3A_341 = arith.remsi %select_n3A_323, %jit3A_324 : i32
    %ne3A_342 = arith.constant 0 : i32
    %ne3A_343 = arith.cmpi ne, %rem3A_341, %ne3A_342 : i32
    %and3A_344 = arith.andi %ne3A_340, %ne3A_343 : i1
    %sub3A_345 = arith.constant 1 : i32
    %sub3A_346 = arith.subi %div3A_325, %sub3A_345 : i32
    %select_n3A_347 = arith.select %and3A_344, %sub3A_346, %div3A_325 : i32
    %mul3A_348 = arith.constant 2000 : i32
    %mul3A_349 = arith.muli %select_n3A_347, %mul3A_348 : i32
    %jit3A_350 = arith.constant 8 : i32
    %eq3A_351 = arith.constant 0 : i32
    %eq3A_352 = arith.cmpi eq, %jit3A_350, %eq3A_351 : i32
    %jit3A_353 = arith.constant 1 : i32
    %select_n3A_354 = arith.select %eq3A_352, %jit3A_353, %jit3A_350 : i32
    %rem3A_355 = arith.remsi %select_n3A_323, %select_n3A_354 : i32
    %ne3A_356 = arith.constant 0 : i32
    %ne3A_357 = arith.cmpi ne, %rem3A_355, %ne3A_356 : i32
    %lt3A_358 = arith.constant 0 : i32
    %lt3A_359 = arith.cmpi slt, %rem3A_355, %lt3A_358 : i32
    %lt3A_360 = arith.constant 0 : i32
    %lt3A_361 = arith.cmpi slt, %select_n3A_354, %lt3A_360 : i32
    %ne3A_362 = arith.xori %lt3A_359, %lt3A_361 : i1
    %and3A_363 = arith.andi %ne3A_362, %ne3A_357 : i1
    %add3A_364 = arith.addi %rem3A_355, %select_n3A_354 : i32
    %select_n3A_365 = arith.select %and3A_363, %add3A_364, %rem3A_355 : i32
    %mul3A_366 = arith.constant 16 : i32
    %mul3A_367 = arith.muli %select_n3A_365, %mul3A_366 : i32
    %dma_start3A_368 = tpu.memref_slice %arg6[%mul3A_349, %mul3A_367] : memref<40000x128xf32, #tpu.memory_space<hbm>> -> memref<2000x16xf32, #tpu.memory_space<hbm>>
    %dma_start3A_369 = tpu.memref_slice %arg6[%mul3A_349, %mul3A_367] : memref<40000x128xf32, #tpu.memory_space<hbm>> -> memref<2000x16xf32, #tpu.memory_space<hbm>>
    tpu.enqueue_dma source(%arg10 : memref<2000x16xf32, #tpu.memory_space<vmem>>) target(%dma_start3A_369 : memref<2000x16xf32, #tpu.memory_space<hbm>>) target_semaphore(%arg16 : memref<!tpu.dma_semaphore, #tpu.memory_space<semaphore_mem>>)
    %dma_wait3A_370 = arith.constant 8000 : i32
    %dma_wait3A_371 = tpu.memref_slice %arg7[%dma_wait3A_370] : memref<10000xi32, #tpu.memory_space<vmem>> -> memref<2000xi32, #tpu.memory_space<vmem>>
    %dma_wait3A_372 = arith.constant 0 : i32
    %dma_wait3A_373 = arith.constant 0 : i32
    %dma_wait3A_374 = tpu.memref_slice %arg4[%dma_wait3A_372, %dma_wait3A_373] : memref<10000x16xf32, #tpu.memory_space<hbm>> -> memref<10000x16xf32, #tpu.memory_space<hbm>>
    tpu.wait_indirect_dma semaphore(%arg11 : memref<!tpu.dma_semaphore, #tpu.memory_space<semaphore_mem>>) src(%dma_wait3A_374 : memref<10000x16xf32, #tpu.memory_space<hbm>>) dst(%arg9 : memref<2000x16xf32, #tpu.memory_space<vmem>>)
    %dma_start3A_375 = arith.constant 8000 : i32
    %dma_start3A_376 = tpu.memref_slice %arg8[%dma_start3A_375] : memref<10000xi32, #tpu.memory_space<vmem>> -> memref<2000xi32, #tpu.memory_space<vmem>>
    %dma_start3A_377 = arith.constant 0 : i32
    %dma_start3A_378 = arith.constant 0 : i32
    %dma_start3A_379 = tpu.memref_slice %arg5[%dma_start3A_377, %dma_start3A_378] : memref<10000x16xf32, #tpu.memory_space<hbm>> -> memref<10000x16xf32, #tpu.memory_space<hbm>>
    tpu.enqueue_indirect_dma source(%dma_start3A_379 : memref<10000x16xf32, #tpu.memory_space<hbm>>) target(%arg9 : memref<2000x16xf32, #tpu.memory_space<vmem>>) offsets(%dma_start3A_376 : memref<2000xi32, #tpu.memory_space<vmem>>) semaphore(%arg13 : memref<!tpu.dma_semaphore, #tpu.memory_space<semaphore_mem>>) {add = true}
    %dma_wait3A_380 = arith.constant 8000 : i32
    %dma_wait3A_381 = tpu.memref_slice %arg8[%dma_wait3A_380] : memref<10000xi32, #tpu.memory_space<vmem>> -> memref<2000xi32, #tpu.memory_space<vmem>>
    %dma_wait3A_382 = arith.constant 0 : i32
    %dma_wait3A_383 = arith.constant 0 : i32
    %dma_wait3A_384 = tpu.memref_slice %arg5[%dma_wait3A_382, %dma_wait3A_383] : memref<10000x16xf32, #tpu.memory_space<hbm>> -> memref<10000x16xf32, #tpu.memory_space<hbm>>
    tpu.wait_indirect_dma semaphore(%arg13 : memref<!tpu.dma_semaphore, #tpu.memory_space<semaphore_mem>>) src(%dma_wait3A_384 : memref<10000x16xf32, #tpu.memory_space<hbm>>) dst(%arg9 : memref<2000x16xf32, #tpu.memory_space<vmem>>)
    %add3A_385 = arith.constant 8000 : i32
    %add3A_386 = arith.addi %mul3A_2, %add3A_385 : i32
    %jit3A_387 = arith.constant 2000 : i32
    %div3A_388 = arith.divsi %add3A_386, %jit3A_387 : i32
    %sign3A_389 = arith.constant 0 : i32
    %sign3A_390 = arith.cmpi sgt, %add3A_386, %sign3A_389 : i32
    %sign3A_391 = arith.extui %sign3A_390 : i1 to i32
    %sign3A_392 = arith.constant 0 : i32
    %sign3A_393 = arith.cmpi slt, %add3A_386, %sign3A_392 : i32
    %sign3A_394 = arith.extui %sign3A_393 : i1 to i32
    %sign3A_395 = arith.subi %sign3A_391, %sign3A_394 : i32
    %sign3A_396 = arith.constant 0 : i32
    %sign3A_397 = arith.cmpi sgt, %jit3A_387, %sign3A_396 : i32
    %sign3A_398 = arith.extui %sign3A_397 : i1 to i32
    %sign3A_399 = arith.constant 0 : i32
    %sign3A_400 = arith.cmpi slt, %jit3A_387, %sign3A_399 : i32
    %sign3A_401 = arith.extui %sign3A_400 : i1 to i32
    %sign3A_402 = arith.subi %sign3A_398, %sign3A_401 : i32
    %ne3A_403 = arith.cmpi ne, %sign3A_395, %sign3A_402 : i32
    %rem3A_404 = arith.remsi %add3A_386, %jit3A_387 : i32
    %ne3A_405 = arith.constant 0 : i32
    %ne3A_406 = arith.cmpi ne, %rem3A_404, %ne3A_405 : i32
    %and3A_407 = arith.andi %ne3A_403, %ne3A_406 : i1
    %sub3A_408 = arith.constant 1 : i32
    %sub3A_409 = arith.subi %div3A_388, %sub3A_408 : i32
    %select_n3A_410 = arith.select %and3A_407, %sub3A_409, %div3A_388 : i32
    %jit3A_411 = arith.constant 8 : i32
    %div3A_412 = arith.divsi %select_n3A_410, %jit3A_411 : i32
    %sign3A_413 = arith.constant 0 : i32
    %sign3A_414 = arith.cmpi sgt, %select_n3A_410, %sign3A_413 : i32
    %sign3A_415 = arith.extui %sign3A_414 : i1 to i32
    %sign3A_416 = arith.constant 0 : i32
    %sign3A_417 = arith.cmpi slt, %select_n3A_410, %sign3A_416 : i32
    %sign3A_418 = arith.extui %sign3A_417 : i1 to i32
    %sign3A_419 = arith.subi %sign3A_415, %sign3A_418 : i32
    %sign3A_420 = arith.constant 0 : i32
    %sign3A_421 = arith.cmpi sgt, %jit3A_411, %sign3A_420 : i32
    %sign3A_422 = arith.extui %sign3A_421 : i1 to i32
    %sign3A_423 = arith.constant 0 : i32
    %sign3A_424 = arith.cmpi slt, %jit3A_411, %sign3A_423 : i32
    %sign3A_425 = arith.extui %sign3A_424 : i1 to i32
    %sign3A_426 = arith.subi %sign3A_422, %sign3A_425 : i32
    %ne3A_427 = arith.cmpi ne, %sign3A_419, %sign3A_426 : i32
    %rem3A_428 = arith.remsi %select_n3A_410, %jit3A_411 : i32
    %ne3A_429 = arith.constant 0 : i32
    %ne3A_430 = arith.cmpi ne, %rem3A_428, %ne3A_429 : i32
    %and3A_431 = arith.andi %ne3A_427, %ne3A_430 : i1
    %sub3A_432 = arith.constant 1 : i32
    %sub3A_433 = arith.subi %div3A_412, %sub3A_432 : i32
    %select_n3A_434 = arith.select %and3A_431, %sub3A_433, %div3A_412 : i32
    %mul3A_435 = arith.constant 2000 : i32
    %mul3A_436 = arith.muli %select_n3A_434, %mul3A_435 : i32
    %jit3A_437 = arith.constant 8 : i32
    %eq3A_438 = arith.constant 0 : i32
    %eq3A_439 = arith.cmpi eq, %jit3A_437, %eq3A_438 : i32
    %jit3A_440 = arith.constant 1 : i32
    %select_n3A_441 = arith.select %eq3A_439, %jit3A_440, %jit3A_437 : i32
    %rem3A_442 = arith.remsi %select_n3A_410, %select_n3A_441 : i32
    %ne3A_443 = arith.constant 0 : i32
    %ne3A_444 = arith.cmpi ne, %rem3A_442, %ne3A_443 : i32
    %lt3A_445 = arith.constant 0 : i32
    %lt3A_446 = arith.cmpi slt, %rem3A_442, %lt3A_445 : i32
    %lt3A_447 = arith.constant 0 : i32
    %lt3A_448 = arith.cmpi slt, %select_n3A_441, %lt3A_447 : i32
    %ne3A_449 = arith.xori %lt3A_446, %lt3A_448 : i1
    %and3A_450 = arith.andi %ne3A_449, %ne3A_444 : i1
    %add3A_451 = arith.addi %rem3A_442, %select_n3A_441 : i32
    %select_n3A_452 = arith.select %and3A_450, %add3A_451, %rem3A_442 : i32
    %mul3A_453 = arith.constant 16 : i32
    %mul3A_454 = arith.muli %select_n3A_452, %mul3A_453 : i32
    %dma_start3A_455 = tpu.memref_slice %arg6[%mul3A_436, %mul3A_454] : memref<40000x128xf32, #tpu.memory_space<hbm>> -> memref<2000x16xf32, #tpu.memory_space<hbm>>
    %dma_start3A_456 = tpu.memref_slice %arg6[%mul3A_436, %mul3A_454] : memref<40000x128xf32, #tpu.memory_space<hbm>> -> memref<2000x16xf32, #tpu.memory_space<hbm>>
    tpu.enqueue_dma source(%arg9 : memref<2000x16xf32, #tpu.memory_space<vmem>>) target(%dma_start3A_456 : memref<2000x16xf32, #tpu.memory_space<hbm>>) target_semaphore(%arg15 : memref<!tpu.dma_semaphore, #tpu.memory_space<semaphore_mem>>)
    %dma_wait3A_457 = tpu.memref_slice %arg6[%mul3A_349, %mul3A_367] : memref<40000x128xf32, #tpu.memory_space<hbm>> -> memref<2000x16xf32, #tpu.memory_space<hbm>>
    %dma_wait3A_458 = tpu.memref_slice %arg6[%mul3A_349, %mul3A_367] : memref<40000x128xf32, #tpu.memory_space<hbm>> -> memref<2000x16xf32, #tpu.memory_space<hbm>>
    tpu.wait_dma2 semaphore(%arg16 : memref<!tpu.dma_semaphore, #tpu.memory_space<semaphore_mem>>) src(%arg10 : memref<2000x16xf32, #tpu.memory_space<vmem>>) dst(%dma_wait3A_458 : memref<2000x16xf32, #tpu.memory_space<hbm>>)
    %dma_wait3A_459 = tpu.memref_slice %arg6[%mul3A_436, %mul3A_454] : memref<40000x128xf32, #tpu.memory_space<hbm>> -> memref<2000x16xf32, #tpu.memory_space<hbm>>
    %dma_wait3A_460 = tpu.memref_slice %arg6[%mul3A_436, %mul3A_454] : memref<40000x128xf32, #tpu.memory_space<hbm>> -> memref<2000x16xf32, #tpu.memory_space<hbm>>
    tpu.wait_dma2 semaphore(%arg15 : memref<!tpu.dma_semaphore, #tpu.memory_space<semaphore_mem>>) src(%arg9 : memref<2000x16xf32, #tpu.memory_space<vmem>>) dst(%dma_wait3A_460 : memref<2000x16xf32, #tpu.memory_space<hbm>>)
    return
  }
}

module attributes {stable_mosaic.version = 14 : i64} {
  func.func @_nodeproj_body(%arg0: memref<10000x128xf32, #tpu.memory_space<vmem>>, %arg1: memref<272x16xf32, #tpu.memory_space<vmem>>, %arg2: memref<10000x16xf32, #tpu.memory_space<vmem>>, %arg3: memref<10000x16xf32, #tpu.memory_space<vmem>>) attributes {dimension_semantics = [], scalar_prefetch = 0 : i64, scratch_operands = 0 : i64, tpu.core_type = #tpu.core_type<tc>} {
    %get3A = arith.constant 0 : index
    %get3A_0 = arith.constant 0 : index
    %get3A_1 = vector.load %arg0[%get3A, %get3A_0] : memref<10000x128xf32, #tpu.memory_space<vmem>>, vector<10000x128xf32>
    %get3A_2 = arith.constant 16 : index
    %get3A_3 = arith.constant 0 : index
    %get3A_4 = vector.load %arg1[%get3A_2, %get3A_3] : memref<272x16xf32, #tpu.memory_space<vmem>>, vector<128x16xf32>
    %dot_general3A = arith.constant dense<0.000000e+00> : vector<10000x16xf32>
    %dot_general3A_5 = tpu.matmul %get3A_1, %get3A_4, %dot_general3A {dimension_numbers = #tpu.dot_dimension_numbers<[1], [0], [0], [1], [0, 0, 1, 1], [], []>, transpose_lhs_hint = false} : vector<10000x128xf32>, vector<128x16xf32>, vector<10000x16xf32> -> vector<10000x16xf32>
    %swap3A = arith.constant 0 : index
    %swap3A_6 = arith.constant 0 : index
    %swap3A_7 = vector.load %arg2[%swap3A, %swap3A_6] : memref<10000x16xf32, #tpu.memory_space<vmem>>, vector<10000x16xf32>
    tpu.vector_store %arg2[%swap3A, %swap3A_6], %dot_general3A_5 {strides = array<i32>} : memref<10000x16xf32, #tpu.memory_space<vmem>>, vector<10000x16xf32>,
    %get3A_8 = arith.constant 0 : index
    %get3A_9 = arith.constant 0 : index
    %get3A_10 = vector.load %arg0[%get3A_8, %get3A_9] : memref<10000x128xf32, #tpu.memory_space<vmem>>, vector<10000x128xf32>
    %get3A_11 = arith.constant 144 : index
    %get3A_12 = arith.constant 0 : index
    %get3A_13 = vector.load %arg1[%get3A_11, %get3A_12] : memref<272x16xf32, #tpu.memory_space<vmem>>, vector<128x16xf32>
    %dot_general3A_14 = arith.constant dense<0.000000e+00> : vector<10000x16xf32>
    %dot_general3A_15 = tpu.matmul %get3A_10, %get3A_13, %dot_general3A_14 {dimension_numbers = #tpu.dot_dimension_numbers<[1], [0], [0], [1], [0, 0, 1, 1], [], []>, transpose_lhs_hint = false} : vector<10000x128xf32>, vector<128x16xf32>, vector<10000x16xf32> -> vector<10000x16xf32>
    %swap3A_16 = arith.constant 0 : index
    %swap3A_17 = arith.constant 0 : index
    %swap3A_18 = vector.load %arg3[%swap3A_16, %swap3A_17] : memref<10000x16xf32, #tpu.memory_space<vmem>>, vector<10000x16xf32>
    tpu.vector_store %arg3[%swap3A_16, %swap3A_17], %dot_general3A_15 {strides = array<i32>} : memref<10000x16xf32, #tpu.memory_space<vmem>>, vector<10000x16xf32>,
    return
  }
}

module attributes {stable_mosaic.version = 14 : i64} {
  func.func @_finish_body(%arg0: i32, %arg1: memref<2000x128xf32, #tpu.memory_space<vmem>>, %arg2: memref<16x16000xf32, #tpu.memory_space<vmem>>, %arg3: memref<272x16xf32, #tpu.memory_space<vmem>>, %arg4: memref<16x1xf32, #tpu.memory_space<vmem>>, %arg5: memref<16x16xf32, #tpu.memory_space<vmem>>, %arg6: memref<16x16000xf32, #tpu.memory_space<vmem>>) attributes {dimension_semantics = [#tpu.dimension_semantics<arbitrary>], iteration_bounds = array<i64: 20>, scalar_prefetch = 0 : i64, scratch_operands = 0 : i64, tpu.core_type = #tpu.core_type<tc>, window_params = [{transform_indices = @transform_0, window_bounds = array<i64: 2000, 128>}, {transform_indices = @transform_1, window_bounds = array<i64: 16, 16000>}, {pipeline_mode = #tpu.pipeline_mode<synchronous>, transform_indices = @transform_2, window_bounds = array<i64: 272, 16>}, {pipeline_mode = #tpu.pipeline_mode<synchronous>, transform_indices = @transform_3, window_bounds = array<i64: 16, 1>}, {pipeline_mode = #tpu.pipeline_mode<synchronous>, transform_indices = @transform_4, window_bounds = array<i64: 16, 16>}, {transform_indices = @transform_5, window_bounds = array<i64: 16, 16000>}]} {
    %get3A = arith.constant 0 : index
    %get3A_0 = arith.constant 0 : index
    %get3A_1 = vector.load %arg1[%get3A, %get3A_0] : memref<2000x128xf32, #tpu.memory_space<vmem>>, vector<2000x128xf32>
    %get3A_2 = arith.constant 0 : index
    %get3A_3 = arith.constant 0 : index
    %get3A_4 = vector.load %arg5[%get3A_2, %get3A_3] : memref<16x16xf32, #tpu.memory_space<vmem>>, vector<16x16xf32>
    %slice3A = vector.extract_strided_slice %get3A_1 {offsets = [0, 0], sizes = [2000, 16], strides = [1, 1]} : vector<2000x128xf32> to vector<2000x16xf32>
    %dot_general3A = arith.constant dense<0.000000e+00> : vector<16x2000xf32>
    %dot_general3A_5 = tpu.matmul %get3A_4, %slice3A, %dot_general3A {dimension_numbers = #tpu.dot_dimension_numbers<[1], [1], [0], [0], [0, 0, 1, 0], [], []>, transpose_lhs_hint = false} : vector<16x16xf32>, vector<2000x16xf32>, vector<16x2000xf32> -> vector<16x2000xf32>
    %slice3A_6 = vector.extract_strided_slice %get3A_1 {offsets = [0, 16], sizes = [2000, 16], strides = [1, 1]} : vector<2000x128xf32> to vector<2000x16xf32>
    %dot_general3A_7 = arith.constant dense<0.000000e+00> : vector<16x2000xf32>
    %dot_general3A_8 = tpu.matmul %get3A_4, %slice3A_6, %dot_general3A_7 {dimension_numbers = #tpu.dot_dimension_numbers<[1], [1], [0], [0], [0, 0, 1, 0], [], []>, transpose_lhs_hint = false} : vector<16x16xf32>, vector<2000x16xf32>, vector<16x2000xf32> -> vector<16x2000xf32>
    %slice3A_9 = vector.extract_strided_slice %get3A_1 {offsets = [0, 32], sizes = [2000, 16], strides = [1, 1]} : vector<2000x128xf32> to vector<2000x16xf32>
    %dot_general3A_10 = arith.constant dense<0.000000e+00> : vector<16x2000xf32>
    %dot_general3A_11 = tpu.matmul %get3A_4, %slice3A_9, %dot_general3A_10 {dimension_numbers = #tpu.dot_dimension_numbers<[1], [1], [0], [0], [0, 0, 1, 0], [], []>, transpose_lhs_hint = false} : vector<16x16xf32>, vector<2000x16xf32>, vector<16x2000xf32> -> vector<16x2000xf32>
    %slice3A_12 = vector.extract_strided_slice %get3A_1 {offsets = [0, 48], sizes = [2000, 16], strides = [1, 1]} : vector<2000x128xf32> to vector<2000x16xf32>
    %dot_general3A_13 = arith.constant dense<0.000000e+00> : vector<16x2000xf32>
    %dot_general3A_14 = tpu.matmul %get3A_4, %slice3A_12, %dot_general3A_13 {dimension_numbers = #tpu.dot_dimension_numbers<[1], [1], [0], [0], [0, 0, 1, 0], [], []>, transpose_lhs_hint = false} : vector<16x16xf32>, vector<2000x16xf32>, vector<16x2000xf32> -> vector<16x2000xf32>
    %slice3A_15 = vector.extract_strided_slice %get3A_1 {offsets = [0, 64], sizes = [2000, 16], strides = [1, 1]} : vector<2000x128xf32> to vector<2000x16xf32>
    %dot_general3A_16 = arith.constant dense<0.000000e+00> : vector<16x2000xf32>
    %dot_general3A_17 = tpu.matmul %get3A_4, %slice3A_15, %dot_general3A_16 {dimension_numbers = #tpu.dot_dimension_numbers<[1], [1], [0], [0], [0, 0, 1, 0], [], []>, transpose_lhs_hint = false} : vector<16x16xf32>, vector<2000x16xf32>, vector<16x2000xf32> -> vector<16x2000xf32>
    %slice3A_18 = vector.extract_strided_slice %get3A_1 {offsets = [0, 80], sizes = [2000, 16], strides = [1, 1]} : vector<2000x128xf32> to vector<2000x16xf32>
    %dot_general3A_19 = arith.constant dense<0.000000e+00> : vector<16x2000xf32>
    %dot_general3A_20 = tpu.matmul %get3A_4, %slice3A_18, %dot_general3A_19 {dimension_numbers = #tpu.dot_dimension_numbers<[1], [1], [0], [0], [0, 0, 1, 0], [], []>, transpose_lhs_hint = false} : vector<16x16xf32>, vector<2000x16xf32>, vector<16x2000xf32> -> vector<16x2000xf32>
    %slice3A_21 = vector.extract_strided_slice %get3A_1 {offsets = [0, 96], sizes = [2000, 16], strides = [1, 1]} : vector<2000x128xf32> to vector<2000x16xf32>
    %dot_general3A_22 = arith.constant dense<0.000000e+00> : vector<16x2000xf32>
    %dot_general3A_23 = tpu.matmul %get3A_4, %slice3A_21, %dot_general3A_22 {dimension_numbers = #tpu.dot_dimension_numbers<[1], [1], [0], [0], [0, 0, 1, 0], [], []>, transpose_lhs_hint = false} : vector<16x16xf32>, vector<2000x16xf32>, vector<16x2000xf32> -> vector<16x2000xf32>
    %slice3A_24 = vector.extract_strided_slice %get3A_1 {offsets = [0, 112], sizes = [2000, 16], strides = [1, 1]} : vector<2000x128xf32> to vector<2000x16xf32>
    %dot_general3A_25 = arith.constant dense<0.000000e+00> : vector<16x2000xf32>
    %dot_general3A_26 = tpu.matmul %get3A_4, %slice3A_24, %dot_general3A_25 {dimension_numbers = #tpu.dot_dimension_numbers<[1], [1], [0], [0], [0, 0, 1, 0], [], []>, transpose_lhs_hint = false} : vector<16x16xf32>, vector<2000x16xf32>, vector<16x2000xf32> -> vector<16x2000xf32>
    %concatenate3A = tpu.concatenate %dot_general3A_5, %dot_general3A_8, %dot_general3A_11, %dot_general3A_14, %dot_general3A_17, %dot_general3A_20, %dot_general3A_23, %dot_general3A_26 in 1 : vector<16x2000xf32>, vector<16x2000xf32>, vector<16x2000xf32>, vector<16x2000xf32>, vector<16x2000xf32>, vector<16x2000xf32>, vector<16x2000xf32>, vector<16x2000xf32> -> vector<16x16000xf32>
    %get3A_27 = arith.constant 0 : index
    %get3A_28 = arith.constant 0 : index
    %get3A_29 = vector.load %arg3[%get3A_27, %get3A_28] : memref<272x16xf32, #tpu.memory_space<vmem>>, vector<16x16xf32>
    %get3A_30 = arith.constant 0 : index
    %get3A_31 = arith.constant 0 : index
    %get3A_32 = vector.load %arg2[%get3A_30, %get3A_31] : memref<16x16000xf32, #tpu.memory_space<vmem>>, vector<16x16000xf32>
    %dot_general3A_33 = arith.constant dense<0.000000e+00> : vector<16x16000xf32>
    %dot_general3A_34 = tpu.matmul %get3A_29, %get3A_32, %dot_general3A_33 {dimension_numbers = #tpu.dot_dimension_numbers<[0], [0], [1], [1], [0, 1, 1, 1], [], []>, transpose_lhs_hint = false} : vector<16x16xf32>, vector<16x16000xf32>, vector<16x16000xf32> -> vector<16x16000xf32>
    %add3A = arith.addf %concatenate3A, %dot_general3A_34 : vector<16x16000xf32>
    %get3A_35 = arith.constant 0 : index
    %get3A_36 = arith.constant 0 : index
    %get3A_37 = vector.load %arg4[%get3A_35, %get3A_36] : memref<16x1xf32, #tpu.memory_space<vmem>>, vector<16x1xf32>
    %add3A_38 = vector.broadcast %get3A_37 : vector<16x1xf32> to vector<16x16000xf32>
    %add3A_39 = arith.addf %add3A, %add3A_38 : vector<16x16000xf32>
    %swap3A = arith.constant 0 : index
    %swap3A_40 = arith.constant 0 : index
    %swap3A_41 = vector.load %arg6[%swap3A, %swap3A_40] : memref<16x16000xf32, #tpu.memory_space<vmem>>, vector<16x16000xf32>
    tpu.vector_store %arg6[%swap3A, %swap3A_40], %add3A_39 {strides = array<i32>} : memref<16x16000xf32, #tpu.memory_space<vmem>>, vector<16x16000xf32>,
    return
  }
  func.func @transform_0(%arg0: i32) -> (i32, i32) {
    %c0_i32 = arith.constant 0 : i32
    %c0_i32_0 = arith.constant 0 : i32
    return %arg0, %c0_i32 : i32, i32
  }
  func.func @transform_1(%arg0: i32) -> (i32, i32) {
    %c0_i32 = arith.constant 0 : i32
    %c0_i32_0 = arith.constant 0 : i32
    return %c0_i32, %arg0 : i32, i32
  }
  func.func @transform_2(%arg0: i32) -> (i32, i32) {
    %c0_i32 = arith.constant 0 : i32
    %c0_i32_0 = arith.constant 0 : i32
    %c0_i32_1 = arith.constant 0 : i32
    return %c0_i32, %c0_i32_0 : i32, i32
  }
  func.func @transform_3(%arg0: i32) -> (i32, i32) {
    %c0_i32 = arith.constant 0 : i32
    %c0_i32_0 = arith.constant 0 : i32
    %c0_i32_1 = arith.constant 0 : i32
    return %c0_i32, %c0_i32_0 : i32, i32
  }
  func.func @transform_4(%arg0: i32) -> (i32, i32) {
    %c0_i32 = arith.constant 0 : i32
    %c0_i32_0 = arith.constant 0 : i32
    %c0_i32_1 = arith.constant 0 : i32
    return %c0_i32, %c0_i32_0 : i32, i32
  }
  func.func @transform_5(%arg0: i32) -> (i32, i32) {
    %c0_i32 = arith.constant 0 : i32
    %c0_i32_0 = arith.constant 0 : i32
    return %c0_i32, %arg0 : i32, i32
  }
}

</mosaic_0001>

<sc_bundles>
// kernel: kernel.5.cloned.1.call-start
scs
__scs_entry_jumppad:
0x0: {  	(pc) =	sbr.rel $0x88, $3  }
0x1: {  	(tag) =	ssettag $0x0;
	lr =	simm.s32 $0x1  }
0x2: {  	[smem:$0x3F9B] =	sst lr;
	_ =	strace $0xD0000000  }
0x3: {  	_ = 	snop  }
0x4: {  	_ = 	snop  }
0x5: {  	_ = 	snop  }
0x6: {  	_ = 	snop  }
0x7: {  	_ = 	snop  }
__scs_overlays_trampoline_lowered:
0x8: {  	[smem:$0x3FAA] =	sst s0  }
0x9: {  	[smem:$0x3FAB] =	sst s1  }
0xa: {  	[smem:$0x3FAC] =	sst s2  }
0xb: {  	[smem:$0x3FAD] =	sst s3  }
0xc: {  	[smem:$0x3FAE] =	sst s4  }
0xd: {  	[smem:$0x3FAF] =	sst s5  }
0xe: {  	[smem:$0x3FB0] =	sst s6  }
0xf: {  	[smem:$0x3FB1] =	sst s7  }
0x10: {  	[smem:$0x3FB2] =	sst s8  }
0x11: {  	[smem:$0x3FB3] =	sst s9;
	s0 =	simm.s32 @!p0 $0x0  }
0x12: {  	s1 =	sld [smem:$0x3F99];
	s0 =	simm.s32 @p0 $0x1  }
0x13: {  	[smem:$0x3FB4] =	sst s0;
	s0 =	simm.s32 @!p1 $0x0  }
0x14: {  	s2 =	sld [smem:$0x3F98];
	s0 =	simm.s32 @p1 $0x1  }
0x15: {  	[smem:$0x3FB5] =	sst s0;
	s0 =	simm.s32 @!p2 $0x0  }
0x16: {  	s3 =	sld [smem:$0x3FDB];
	s0 =	simm.s32 @p2 $0x1  }
0x17: {  	s4 =	simm.s32 $0x1BF5;
	[smem:$0x3FB7] =	sst s0  }
0x18: {  	s0 =	sld [smem:$0x3F9A];
	_ =	swait.ge [sflag:s4], $0x0  }
0x19: {  	s7 =	sld [smem:$0x3F9B]  }
0x1a: {  	s8 =	sadd.s32 $0xFFFFE003, lr  }
0x1b: {  	s9 =	sadd.s32 $0xFFFFFEF7, lr;
	s5 =	simm.s32 $0xFFFFFFFF;
	p2 =	slt.u32 s8, $0xFFFFF086  }
0x1c: {  	p1 =	slt.u32 s9, $0xF7A;
	s5 =	simm.s32 @!p2 $0x0  }
0x1d: {  	s5 =	simm.s32 @p1 $0x1;
	p0 =	seq.s32 s7, s2  }
0x1e: {  	s7 =	smul.u32 @!p0 $0xF7A, s2;
	p2 =	seq.s32 @!p0 s5, $0x0  }
0x1f: {  	s9 =	smul.u32 $0xF7A, s1;
	s8 =	simm.s32 @!p0 $0x1BF5;
	p2 =	por !p2, p0  }
0x20: {  	[sflag:s8] =	ssyncset.s32 @!p0 $0xFFFFF086;
	s6 =	sadd.s32 @!p0 s3, s7;
	s7 =	simm.s32 @!p0 $0x108  }
0x21: {  	s3 =	sadd.s32 s3, s9;
	s6 =	sadd.s32 @!p0 $0x88, s6;
	s7 =	simm.s32 @p2 $0x1082  }
0x22: {  	[simem:s7], [sflag:s8] =	dma.local @!p0 [hbm:s6], $0xF7A  }
0x23: {  	s9 =	sor.u32 $0xD0000000, s2;
	s6 =	simm.s32 $0x108;
	_ =	swait.ge @!p0 [sflag:s8], $0x0  }
0x24: {  	s3 =	sadd.s32 $0x88, s3;
	s6 =	simm.s32 @!p1 $0x1082;
	[sflag:s4] =	ssyncset.s32 $0xFFFFF086  }
0x25: {  	[simem:s6], [sflag:s4] =	dma.local [hbm:s3], $0xF7A  }
0x26: {  	[smem:$0x3F9B] =	sst s1;
	(tag) =	ssettag s2;
	_ =	strace s9  }
0x27: {  	s1 =	sld [smem:$0x3FAB]  }
0x28: {  	s2 =	sld [smem:$0x3FAC]  }
0x29: {  	s4 =	sld [smem:$0x3FAE]  }
0x2a: {  	p0 =	seq.s32 s5, $0x0;
	s5 =	sld [smem:$0x3FAF]  }
0x2b: {  	s6 =	sld [smem:$0x3FB0]  }
0x2c: {  	s7 =	sld [smem:$0x3FB1]  }
0x2d: {  	s3 =	simm.s32 $0x108;
	s8 =	sld [smem:$0x3FB2]  }
0x2e: {  	s3 =	simm.s32 @!p0 $0x1082;
	s9 =	sld [smem:$0x3FB3]  }
0x2f: {  	lr =	sadd.s32 s0, s3;
	s0 =	sld [smem:$0x3FAA]  }
0x30: {  	s3 =	sld [smem:$0x3FAD]  }
0x31: {  	[smem:$0x3FB6] =	sst s10  }
0x32: {  	s10 =	sld [smem:$0x3FB4];
	_ =	sdelay $0x3  }
0x33: {  	p0 =	seq.s32 s10, $0x1;
	s10 =	sld [smem:$0x3FB6];
	_ =	sdelay $0x3  }
0x34: {  	[smem:$0x3FB6] =	sst s10  }
0x35: {  	s10 =	sld [smem:$0x3FB5];
	_ =	sdelay $0x3  }
0x36: {  	p1 =	seq.s32 s10, $0x1;
	s10 =	sld [smem:$0x3FB6];
	_ =	sdelay $0x3  }
0x37: {  	[smem:$0x3FB6] =	sst s10  }
0x38: {  	s10 =	sld [smem:$0x3FB7]  }
0x39: {  	_ = 	snop;
	(pc) =	sbr.ind lr, $3  }
0x3a: {  	_ = 	snop  }
0x3b: {  	_ = 	snop  }
0x3c: {  	p2 =	seq.s32 s10, $0x1;
	s10 =	sld [smem:$0x3FB6]  }
0x3d: {  	_ =	shalt  }
0x3e: {  	_ =	shalt  }
0x3f: {  	_ =	shalt  }
0x40: {  	_ =	shalt  }
0x41: {  	_ =	shalt  }
0x42: {  	_ =	shalt  }
0x43: {  	_ =	shalt  }
0x44: {  	_ =	shalt  }
0x45: {  	_ =	shalt  }
0x46: {  	_ =	shalt  }
0x47: {  	_ =	shalt  }
0x48: {  	_ =	shalt  }
0x49: {  	_ =	shalt  }
0x4a: {  	_ =	shalt  }
0x4b: {  	_ =	shalt  }
0x4c: {  	_ =	shalt  }
0x4d: {  	_ =	shalt  }
0x4e: {  	_ =	shalt  }
0x4f: {  	_ =	shalt  }
0x50: {  	_ =	shalt  }
0x51: {  	_ =	shalt  }
0x52: {  	_ =	shalt  }
0x53: {  	_ =	shalt  }
0x54: {  	_ =	shalt  }
0x55: {  	_ =	shalt  }
0x56: {  	_ =	shalt  }
0x57: {  	_ =	shalt  }
0x58: {  	_ =	shalt  }
0x59: {  	_ =	shalt  }
0x5a: {  	_ =	shalt  }
0x5b: {  	_ =	shalt  }
0x5c: {  	_ =	shalt  }
0x5d: {  	_ =	shalt  }
0x5e: {  	_ =	shalt  }
0x5f: {  	_ =	shalt  }
0x60: {  	_ =	shalt  }
0x61: {  	_ =	shalt  }
0x62: {  	_ =	shalt  }
0x63: {  	_ =	shalt  }
0x64: {  	_ =	shalt  }
0x65: {  	_ =	shalt  }
0x66: {  	_ =	shalt  }
0x67: {  	_ =	shalt  }
0x68: {  	_ =	shalt  }
0x69: {  	_ =	shalt  }
0x6a: {  	_ =	shalt  }
0x6b: {  	_ =	shalt  }
0x6c: {  	_ =	shalt  }
0x6d: {  	_ =	shalt  }
0x6e: {  	_ =	shalt  }
0x6f: {  	_ =	shalt  }
0x70: {  	_ =	shalt  }
0x71: {  	_ =	shalt  }
0x72: {  	_ =	shalt  }
0x73: {  	_ =	shalt  }
0x74: {  	_ =	shalt  }
0x75: {  	_ =	shalt  }
0x76: {  	_ =	shalt  }
0x77: {  	_ =	shalt  }
0x78: {  	_ =	shalt  }
0x79: {  	_ =	shalt  }
0x7a: {  	_ =	shalt  }
0x7b: {  	_ =	shalt  }
0x7c: {  	_ =	shalt  }
0x7d: {  	_ =	shalt  }
0x7e: {  	_ =	shalt  }
0x7f: {  	_ =	shalt  }
0x80: {  	_ =	shalt  }
0x81: {  	_ =	shalt  }
0x82: {  	_ =	shalt  }
0x83: {  	_ =	shalt  }
0x84: {  	_ =	shalt  }
0x85: {  	_ =	shalt  }
0x86: {  	_ =	shalt  }
0x87: {  	_ =	shalt  }
.Lfunc_end0:
.L_simem_size_0:
called_computation_lowered:
.L_overlay_start_0:
0x88: {  	s2 =	sld [smem:$0x3FD9]  }
0x89: {  	s3 =	sld [smem:$0x3FFE];
	_ =	sdelay $0x1  }
0x8a: {  	s1 =	srdreg.scid  }
0x8b: {  	s0 =	sand.u32 $0x1, s1  }
0x8c: {  	s14 =	sshll.u32 s0, $0xA;
	s2 =	sadd.s32 s3, s2  }
0x8d: {  	s2 =	sadd.s32 s2, s14  }
0x8e: {  	[smem:$0x3FC2] =	sst s2  }
0x8f: {  	_ = 	snop  }
0x90: {  	s2 =	sld [smem:$0x3FD0];
	_ =	sdelay $0x2  }
0x91: {  	s15 =	simm.s32 $0xA;
	s4 =	simm.s32 $0x10  }
0x92: {  	[smem:s4], [sflag:s15] =	dma.local [hbm:s2], $0x1  }
0x93: {  	_ =	swait.eq [sflag:s15], $0x1  }
0x94: {  	s16 =	sld [smem:$0x10];
	[sflag:s15] =	ssyncset.done $0x0  }
0x95: {  	s17 =	sld [smem:$0x11];
	[sflag:s15] =	ssyncadd.s32 $0xFFFFFFFF  }
0x96: {  	s18 =	sld [smem:$0x12];
	(tm) =	ssettm $0x1  }
0x97: {  	s5 =	sld [smem:$0x3FFB];
	_ =	sdelay $0x3  }
0x98: {  	_ =	strace s5  }
0x99: {  	s5 =	sld [smem:$0x3FFC];
	_ =	sdelay $0x3  }
0x9a: {  	_ =	strace s5  }
0x9b: {  	s5 =	sld [smem:$0x3FFD];
	_ =	sdelay $0x3  }
0x9c: {  	_ =	strace s5  }
0x9d: {  	_ =	strace $0x8FFFFFFF  }
0x9e: {  	s19 =	sld [smem:$0x3FDB];
	_ =	sdelay $0x1  }
0x9f: {  	s6 =	simm.s32 $_scs_section_size  }
0xa0: {  	s7 =	simm.s32 $_size__tile_overlayer_lowered;
	s8 =	simm.s32 $_tile_overlayer_lowered  }
0xa1: {  	s22 =	simm.s32 $0x1BFF;
	s21 =	sshll.u32 s8, $0x1;
	s5 =	sadd.s32 s6, s19  }
0xa2: {  	s9 =	simm.s32 $0x0;
	s20 =	sshll.u32 s7, $0x1;
	s7 =	sadd.s32 s21, s5  }
0xa3: {  	[timem:s9], [sflag:s22] =	dma.local [hbm:s7], s20  }
0xa4: {  	_ =	swait.ge [sflag:s22], s20  }
0xa5: {  	s6 =	ssub.s32 $0x0, s20;
	[sflag:s22] =	ssyncset.done $0x0  }
0xa6: {  	[sflag:s22] =	ssyncadd.s32 s6;
	_ =	sdelay $0x1  }
0xa7: {  	s23 =	simm.s32 $0x1B8B  }
0xa8: {  	_ =	swait.ge [sflag:s23], $0x1  }
0xa9: {  	[sflag:s23] =	ssyncset.done $0x0  }
0xaa: {  	s25 =	simm.s32 $0x1B8E;
	s24 =	sld [smem:$0x3FFE];
	[sflag:s23] =	ssyncadd.s32 $0xFFFFFFFF  }
0xab: {  	s26 =	simm.s32 $execute0_lowered;
	[smem:$0x3FD2] =	sst s25  }
0xac: {  	s7 =	sshll.u32 s26, $0x1;
	_ =	strace $0x80000046;
	[dreg:$0x1] =	wrdreg $0xFFFFFFFF  }
0xad: {  	s28 =	simm.s32 $_size_execute0_lowered;
	s5 =	sadd.s32 s5, s7;
	[dreg:$0x0] =	wrdreg $0x0  }
0xae: {  	s7 =	sshll.u32 s28, $0x1;
	[dreg:$0x2] =	wrdreg s5  }
0xaf: {  	[dreg:$0x3] =	wrdreg s7  }
0xb0: {  	[dreg:$0x4] =	wrdreg $0xC0  }
0xb1: {  	_ =	task [dreg:s9], $0x5FFFF  }
0xb2: {  	[dreg:$0x1] =	wrdreg $0xFFFFFFFF  }
0xb3: {  	[dreg:$0x0] =	wrdreg $0x60  }
0xb4: {  	[dreg:$0x2] =	wrdreg s16  }
0xb5: {  	[dreg:$0x3] =	wrdreg s18  }
0xb6: {  	[dreg:$0x4] =	wrdreg s24  }
0xb7: {  	[dreg:$0x5] =	wrdreg s17  }
0xb8: {  	[dreg:$0x6] =	wrdreg $0x9  }
0xb9: {  	_ =	task.clear_ibuf [dreg:s9], $0x7FFFF;
	_ =	strace $0x90000046  }
0xba: {  	s29 =	simm.s32 $0x9;
	_ =	strace $0x80000048  }
0xbb: {  	_ =	swait.ge [sflag:s29], $0x1  }
0xbc: {  	[sflag:s29] =	ssyncadd.s32 $0xFFFFFFFF  }
0xbd: {  	_ =	strace $0x90000048  }
0xbe: {  	_ =	sfence  }
0xbf: {  	s30 =	sld [smem:$0x0];
	_ =	sdelay $0x2  }
0xc0: {  	s31 =	sshll.u32 s1, $0xD;
	s1 =	sshrl.u32 s1, $0x2  }
0xc1: {  	s3 =	sand.u32 $0x4000, s31;
	s1 =	sadd.s32 s1, s30  }
0xc2: {  	s0 =	sor.u32 s3, s0;
	s1 =	sshll.u32 s1, $0x11  }
0xc3: {  	s0 =	sor.u32 s1, s0  }
0xc4: {  	s0 =	sadd.s32 $0x8F2B, s0  }
0xc5: {  	[sflag:s0] =	ssyncadd.remote.s32 $0x1  }
0xc6: {  	_ =	sfence.sel $0xFFFF  }
0xc7: {  	[dreg:$0x0] =	wrdreg $0xFFFFFFFF;
	(pc) =	sbr.abs _section_cstart, $3  }
0xc8: {  	[dreg:$0x1] =	wrdreg $0xFFFFFFFF  }
0xc9: {  	_ =	task.clear_ibuf [dreg:s9], $0x2FFFF;
	_ =	strace $0x9FFFFFFF  }
0xca: {  	(tm) =	ssettm $0x7FFFFFFF  }
0xcb: {  	_ =	shalt  }
tec
execute0_lowered:
.L_overlay_start_1:
0x0: {  	(tag) =	ssettag $0x1  }
0x1: {  	s1 =	srdreg.scid;
	s0 =	stileid.u32  }
0x2: {  	s3 =	rddreg [dreg:$0x0];
	s1 =	sand.u32 $0x1, s1;
	s2 =	sshll.u32 s0, $0x1  }
0x3: {  	s4 =	rddreg [dreg:$0x1];
	s11 =	sor.u32 s1, s2  }
0x4: {  	s10 =	rddreg [dreg:$0x2];
	s28 =	smul.u32 $0x2710, s11  }
0x5: {  	s31 =	rddreg [dreg:$0x3]  }
0x6: {  	[dreg:$0x6] =	wrdreg s1;
	s2 =	simm.s32 $0x0;
	s5 =	sshrl.u32 s28, $0x3  }
0x7: {  	[smem:$0x7FF] =	sst s2;
	s3 =	sadd.s32 s3, s5  }
0x8: {  	_ =	strace $0x80000047;
	[dreg:$0x5] =	wrdreg s3  }
0x9: {  	s3 =	simm.s32 $0x7;
	s6 =	rddreg [dreg:$0x5]  }
0xa: {  	[tilespmem:s2], [sflag:$0x7] =	stream.linear.gather [hbm4b:s6+s2], $0x2710, $0x38;
	[tilespmem:$0x14820] =	vst v63  }
0xb: {  	_ =	swait.ge [sflag:s3], $0x2710  }
0xc: {  	[sflag:s3] =	ssyncset.done $0x0  }
0xd: {  	s4 =	sadd.s32 s4, s5;
	s5 =	simm.s32 $0x2710;
	[sflag:s3] =	ssyncadd.s32 $0xFFFFD8F0  }
0xe: {  	[tilespmem:s5], [sflag:$0x7] =	stream.linear.gather [hbm4b:s4+s2], $0x2710, $0x38;
	[tilespmem:$0x14820] =	vst v63  }
0xf: {  	s7 =	simm.s32 $0x7D0;
	s8 =	simm.s32 $0x4E20;
	_ =	swait.ge [sflag:s3], $0x2710  }
0x10: {  	s9 =	simm.s32 $0x1;
	s12 =	smul.u32 $0x5, s11;
	[sflag:s3] =	ssyncset.done $0x0  }
0x11: {  	s11 =	smul.u32 $0x50, s11;
	s6 =	sadd.s32 $0x6000, s10;
	[sflag:s3] =	ssyncadd.s32 $0xFFFFD8F0  }
0x12: {  	[tilespmem:s8], [sflag:$0x1] =	stream.indirect.gather [hbm4b:s6+s7], $0x10, s2, s7, $0xb8;
	[tilespmem:$0x14820] =	vst v63  }
0x13: {  	s12 =	sshrl.u32 s12, $0x3;
	_ =	swait.ge [sflag:s9], $0x7D00  }
0x14: {  	s13 =	sand.u32 $0x70, s11;
	s11 =	simm.s32 $0x3;
	[sflag:s9] =	ssyncset.done $0x0  }
0x15: {  	s12 =	smul.u32 $0x3E800, s12;
	s10 =	sadd.s32 $0x1000, s10;
	[sflag:s9] =	ssyncadd.s32 $0xFFFF8300  }
0x16: {  	[tilespmem:s8], [sflag:$0x3] =	stream.indirect.gather.add.f32 [hbm:s10], $0x10, s5, s7, $0xb8;
	[tilespmem:$0x14820] =	vst v63  }
0x17: {  	_ =	swait.ge [sflag:s11], $0x7D00  }
0x18: {  	s14 =	simm.s32 $0x10;
	s12 =	sor.u32 s13, s12;
	[sflag:s11] =	ssyncset.done $0x0  }
0x19: {  	s13 =	simm.s32 $0xCB20;
	s12 =	sshrl.u32 s12, $0x3;
	[sflag:s11] =	ssyncadd.s32 $0xFFFF8300  }
0x1a: {  	[tilespmem:s13], [sflag:$0x2] =	stream.indirect.gather [hbm4b:s6+s7], $0x10, s7, s7, $0xb8;
	[tilespmem:$0x14820] =	vst v63  }
0x1b: {  	s15 =	simm.s32 $0x80;
	s16 =	simm.s32 $0x2;
	s12 =	sadd.s32 s31, s12  }
0x1c: {  	[hbm4b:s12+s14] =	stream.strided.scatter [tilespmem:s8], [sflag:$0x5], $0x7D00, s15, s14, $0x38;
	[tilespmem:$0x14820] =	vst v63  }
0x1d: {  	s19 =	sadd.s32 $0x7D0, s28;
	_ =	swait.ge [sflag:s16], $0x7D00  }
0x1e: {  	s17 =	simm.s32 $0x2EE0;
	s20 =	smulhi.u32 $0x83127, s19;
	[sflag:s16] =	ssyncset.done $0x0  }
0x1f: {  	s18 =	simm.s32 $0x4;
	s19 =	smulhi.u32 $0x20C49C, s19;
	[sflag:s16] =	ssyncadd.s32 $0xFFFF8300  }
0x20: {  	[tilespmem:s13], [sflag:$0x4] =	stream.indirect.gather.add.f32 [hbm:s10], $0x10, s17, s7, $0xb8;
	[tilespmem:$0x14820] =	vst v63  }
0x21: {  	_ =	swait.ge [sflag:s18], $0x7D00  }
0x22: {  	s20 =	sshrl.u32 s20, $0x1;
	s21 =	sshll.u32 s19, $0x4;
	[sflag:s18] =	ssyncset.done $0x0  }
0x23: {  	s19 =	simm.s32 $0x5;
	s20 =	smul.u32 $0x3E800, s20;
	[sflag:s18] =	ssyncadd.s32 $0xFFFF8300  }
0x24: {  	s21 =	sand.u32 $0x70, s21;
	_ =	swait.ge [sflag:s19], $0x7D00  }
0x25: {  	s20 =	sor.u32 s20, s21;
	[sflag:s19] =	ssyncset.done $0x0  }
0x26: {  	s21 =	sshrl.u32 s20, $0x3;
	s20 =	simm.s32 $0xFA0;
	[sflag:s19] =	ssyncadd.s32 $0xFFFF8300  }
0x27: {  	[tilespmem:s8], [sflag:$0x1] =	stream.indirect.gather [hbm4b:s6+s7], $0x10, s20, s7, $0xb8;
	[tilespmem:$0x14820] =	vst v63  }
0x28: {  	s21 =	sadd.s32 s31, s21  }
0x29: {  	[hbm4b:s21+s14] =	stream.strided.scatter [tilespmem:s13], [sflag:$0x6], $0x7D00, s15, s14, $0x38;
	[tilespmem:$0x14820] =	vst v63  }
0x2a: {  	s23 =	sadd.s32 $0xFA0, s28;
	_ =	swait.ge [sflag:s9], $0x7D00  }
0x2b: {  	s24 =	smulhi.u32 $0x83127, s23;
	[sflag:s9] =	ssyncset.done $0x0  }
0x2c: {  	s22 =	simm.s32 $0x36B0;
	s23 =	smulhi.u32 $0x20C49C, s23;
	[sflag:s9] =	ssyncadd.s32 $0xFFFF8300  }
0x2d: {  	[tilespmem:s8], [sflag:$0x3] =	stream.indirect.gather.add.f32 [hbm:s10], $0x10, s22, s7, $0xb8;
	[tilespmem:$0x14820] =	vst v63  }
0x2e: {  	_ =	swait.ge [sflag:s11], $0x7D00  }
0x2f: {  	s24 =	sshrl.u32 s24, $0x1;
	s25 =	sshll.u32 s23, $0x4;
	[sflag:s11] =	ssyncset.done $0x0  }
0x30: {  	s23 =	simm.s32 $0x6;
	s24 =	smul.u32 $0x3E800, s24;
	[sflag:s11] =	ssyncadd.s32 $0xFFFF8300  }
0x31: {  	s25 =	sand.u32 $0x70, s25;
	_ =	swait.ge [sflag:s23], $0x7D00  }
0x32: {  	s24 =	sor.u32 s24, s25;
	[sflag:s23] =	ssyncset.done $0x0  }
0x33: {  	s25 =	sshrl.u32 s24, $0x3;
	s24 =	simm.s32 $0x1770;
	[sflag:s23] =	ssyncadd.s32 $0xFFFF8300  }
0x34: {  	[tilespmem:s13], [sflag:$0x2] =	stream.indirect.gather [hbm4b:s6+s7], $0x10, s24, s7, $0xb8;
	[tilespmem:$0x14820] =	vst v63  }
0x35: {  	s25 =	sadd.s32 s31, s25  }
0x36: {  	[hbm4b:s25+s14] =	stream.strided.scatter [tilespmem:s8], [sflag:$0x5], $0x7D00, s15, s14, $0x38;
	[tilespmem:$0x14820] =	vst v63  }
0x37: {  	s29 =	sadd.s32 $0x1770, s28;
	_ =	swait.ge [sflag:s16], $0x7D00  }
0x38: {  	s30 =	smulhi.u32 $0x83127, s29;
	[sflag:s16] =	ssyncset.done $0x0  }
0x39: {  	s26 =	simm.s32 $0x3E80;
	s29 =	smulhi.u32 $0x20C49C, s29;
	[sflag:s16] =	ssyncadd.s32 $0xFFFF8300  }
0x3a: {  	[tilespmem:s13], [sflag:$0x4] =	stream.indirect.gather.add.f32 [hbm:s10], $0x10, s26, s7, $0xb8;
	[tilespmem:$0x14820] =	vst v63  }
0x3b: {  	s30 =	sshrl.u32 s30, $0x1;
	_ =	swait.ge [sflag:s18], $0x7D00  }
0x3c: {  	s29 =	sshll.u32 s29, $0x4;
	s30 =	smul.u32 $0x3E800, s30;
	[sflag:s18] =	ssyncset.done $0x0  }
0x3d: {  	s29 =	sand.u32 $0x70, s29;
	[sflag:s18] =	ssyncadd.s32 $0xFFFF8300  }
0x3e: {  	s29 =	sor.u32 s30, s29;
	_ =	swait.ge [sflag:s19], $0x7D00  }
0x3f: {  	s30 =	sadd.s32 $0x1F40, s28;
	s28 =	simm.s32 $0x1F40;
	[sflag:s19] =	ssyncset.done $0x0  }
0x40: {  	s29 =	sshrl.u32 s29, $0x3;
	s1 =	smulhi.u32 $0x83127, s30;
	[sflag:s19] =	ssyncadd.s32 $0xFFFF8300  }
0x41: {  	[tilespmem:s8], [sflag:$0x1] =	stream.indirect.gather [hbm4b:s6+s7], $0x10, s28, s7, $0xb8;
	[tilespmem:$0x14820] =	vst v63  }
0x42: {  	s30 =	smulhi.u32 $0x20C49C, s30;
	s29 =	sadd.s32 s31, s29  }
0x43: {  	[hbm4b:s29+s14] =	stream.strided.scatter [tilespmem:s13], [sflag:$0x6], $0x7D00, s15, s14, $0x38;
	[tilespmem:$0x14820] =	vst v63  }
0x44: {  	s0 =	sshrl.u32 s1, $0x1;
	_ =	swait.ge [sflag:s9], $0x7D00  }
0x45: {  	s30 =	sshll.u32 s30, $0x4;
	s1 =	smul.u32 $0x3E800, s0;
	[sflag:s9] =	ssyncset.done $0x0  }
0x46: {  	s0 =	sand.u32 $0x70, s30;
	s30 =	simm.s32 $0x4650;
	[sflag:s9] =	ssyncadd.s32 $0xFFFF8300  }
0x47: {  	[tilespmem:s8], [sflag:$0x3] =	stream.indirect.gather.add.f32 [hbm:s10], $0x10, s30, s7, $0xb8;
	[tilespmem:$0x14820] =	vst v63  }
0x48: {  	s0 =	sor.u32 s1, s0;
	_ =	swait.ge [sflag:s11], $0x7D00  }
0x49: {  	s0 =	sshrl.u32 s0, $0x3;
	[sflag:s11] =	ssyncset.done $0x0;
	s1 =	rddreg [dreg:$0x6]  }
0x4a: {  	s31 =	sadd.s32 s31, s0;
	s0 =	ssub.s32 $0x2, s1;
	[sflag:s11] =	ssyncadd.s32 $0xFFFF8300  }
0x4b: {  	[hbm4b:s31+s14] =	stream.strided.scatter [tilespmem:s8], [sflag:$0x5], $0x7D00, s15, s14, $0x38;
	[tilespmem:$0x14820] =	vst v63  }
0x4c: {  	s1 =	sshrl.u32 s0, $0x1  }
0x4d: {  	s0 =	ssub.s32 s0, s1  }
0x4e: {  	s0 =	smax.u32 s0, $0x1  }
0x4f: {  	p0 =	sne.s32 s0, $0x1  }
.Ltmp0:
0x50: {  	_ =	swait.ge [sflag:s23], $0x7D00;
	(pc) =	sbr.rel @!p0 .LBB2_2-.Ltmp0, $4  }
0x51: {  	[sflag:s23] =	ssyncset.done $0x0  }
0x52: {  	[sflag:s23] =	ssyncadd.s32 $0xFFFF8300  }
0x53: {  	_ =	swait.ge [sflag:s19], $0x7D00  }
0x54: {  	s1 =	sadd.s32 $0xFFFFFFFF, s0;
	[sflag:s19] =	ssyncset.done $0x0  }
.LBB2_1:
0x55: {  	s0 =	rddreg [dreg:$0x5];
	[sflag:s19] =	ssyncadd.s32 $0xFFFF8300  }
0x56: {  	[tilespmem:s2], [sflag:$0x7] =	stream.linear.gather [hbm4b:s0+s2], $0x2710, $0x38;
	[tilespmem:$0x14820] =	vst v63  }
0x57: {  	_ =	swait.ge [sflag:s3], $0x2710  }
0x58: {  	[sflag:s3] =	ssyncset.done $0x0  }
0x59: {  	[sflag:s3] =	ssyncadd.s32 $0xFFFFD8F0  }
0x5a: {  	[tilespmem:s5], [sflag:$0x7] =	stream.linear.gather [hbm4b:s4+s2], $0x2710, $0x38;
	[tilespmem:$0x14820] =	vst v63  }
0x5b: {  	_ =	swait.ge [sflag:s3], $0x2710  }
0x5c: {  	[sflag:s3] =	ssyncset.done $0x0  }
0x5d: {  	[sflag:s3] =	ssyncadd.s32 $0xFFFFD8F0  }
0x5e: {  	[tilespmem:s8], [sflag:$0x1] =	stream.indirect.gather [hbm4b:s6+s7], $0x10, s2, s7, $0xb8;
	[tilespmem:$0x14820] =	vst v63  }
0x5f: {  	_ =	swait.ge [sflag:s9], $0x7D00  }
0x60: {  	[sflag:s9] =	ssyncset.done $0x0  }
0x61: {  	[sflag:s9] =	ssyncadd.s32 $0xFFFF8300  }
0x62: {  	[tilespmem:s8], [sflag:$0x3] =	stream.indirect.gather.add.f32 [hbm:s10], $0x10, s5, s7, $0xb8;
	[tilespmem:$0x14820] =	vst v63  }
0x63: {  	_ =	swait.ge [sflag:s11], $0x7D00  }
0x64: {  	[sflag:s11] =	ssyncset.done $0x0  }
0x65: {  	[sflag:s11] =	ssyncadd.s32 $0xFFFF8300  }
0x66: {  	[tilespmem:s13], [sflag:$0x2] =	stream.indirect.gather [hbm4b:s6+s7], $0x10, s7, s7, $0xb8;
	[tilespmem:$0x14820] =	vst v63  }
0x67: {  	_ = 	snop  }
0x68: {  	[hbm4b:s12+s14] =	stream.strided.scatter [tilespmem:s8], [sflag:$0x5], $0x7D00, s15, s14, $0x38;
	[tilespmem:$0x14820] =	vst v63  }
0x69: {  	_ =	swait.ge [sflag:s16], $0x7D00  }
0x6a: {  	[sflag:s16] =	ssyncset.done $0x0  }
0x6b: {  	[sflag:s16] =	ssyncadd.s32 $0xFFFF8300  }
0x6c: {  	[tilespmem:s13], [sflag:$0x4] =	stream.indirect.gather.add.f32 [hbm:s10], $0x10, s17, s7, $0xb8;
	[tilespmem:$0x14820] =	vst v63  }
0x6d: {  	_ =	swait.ge [sflag:s18], $0x7D00  }
0x6e: {  	[sflag:s18] =	ssyncset.done $0x0  }
0x6f: {  	[sflag:s18] =	ssyncadd.s32 $0xFFFF8300  }
0x70: {  	_ =	swait.ge [sflag:s19], $0x7D00  }
0x71: {  	[sflag:s19] =	ssyncset.done $0x0  }
0x72: {  	[sflag:s19] =	ssyncadd.s32 $0xFFFF8300  }
0x73: {  	[tilespmem:s8], [sflag:$0x1] =	stream.indirect.gather [hbm4b:s6+s7], $0x10, s20, s7, $0xb8;
	[tilespmem:$0x14820] =	vst v63  }
0x74: {  	_ = 	snop  }
0x75: {  	[hbm4b:s21+s14] =	stream.strided.scatter [tilespmem:s13], [sflag:$0x6], $0x7D00, s15, s14, $0x38;
	[tilespmem:$0x14820] =	vst v63  }
0x76: {  	_ =	swait.ge [sflag:s9], $0x7D00  }
0x77: {  	[sflag:s9] =	ssyncset.done $0x0  }
0x78: {  	[sflag:s9] =	ssyncadd.s32 $0xFFFF8300  }
0x79: {  	[tilespmem:s8], [sflag:$0x3] =	stream.indirect.gather.add.f32 [hbm:s10], $0x10, s22, s7, $0xb8;
	[tilespmem:$0x14820] =	vst v63  }
0x7a: {  	_ =	swait.ge [sflag:s11], $0x7D00  }
0x7b: {  	[sflag:s11] =	ssyncset.done $0x0  }
0x7c: {  	[sflag:s11] =	ssyncadd.s32 $0xFFFF8300  }
0x7d: {  	_ =	swait.ge [sflag:s23], $0x7D00  }
0x7e: {  	[sflag:s23] =	ssyncset.done $0x0  }
0x7f: {  	[sflag:s23] =	ssyncadd.s32 $0xFFFF8300  }
0x80: {  	[tilespmem:s13], [sflag:$0x2] =	stream.indirect.gather [hbm4b:s6+s7], $0x10, s24, s7, $0xb8;
	[tilespmem:$0x14820] =	vst v63  }
0x81: {  	_ = 	snop  }
0x82: {  	[hbm4b:s25+s14] =	stream.strided.scatter [tilespmem:s8], [sflag:$0x5], $0x7D00, s15, s14, $0x38;
	[tilespmem:$0x14820] =	vst v63  }
0x83: {  	_ =	swait.ge [sflag:s16], $0x7D00  }
0x84: {  	[sflag:s16] =	ssyncset.done $0x0  }
0x85: {  	[sflag:s16] =	ssyncadd.s32 $0xFFFF8300  }
0x86: {  	[tilespmem:s13], [sflag:$0x4] =	stream.indirect.gather.add.f32 [hbm:s10], $0x10, s26, s7, $0xb8;
	[tilespmem:$0x14820] =	vst v63  }
0x87: {  	_ =	swait.ge [sflag:s18], $0x7D00  }
0x88: {  	[sflag:s18] =	ssyncset.done $0x0  }
0x89: {  	[sflag:s18] =	ssyncadd.s32 $0xFFFF8300  }
0x8a: {  	_ =	swait.ge [sflag:s19], $0x7D00  }
0x8b: {  	[sflag:s19] =	ssyncset.done $0x0  }
0x8c: {  	[sflag:s19] =	ssyncadd.s32 $0xFFFF8300  }
0x8d: {  	[tilespmem:s8], [sflag:$0x1] =	stream.indirect.gather [hbm4b:s6+s7], $0x10, s28, s7, $0xb8;
	[tilespmem:$0x14820] =	vst v63  }
0x8e: {  	_ = 	snop  }
0x8f: {  	[hbm4b:s29+s14] =	stream.strided.scatter [tilespmem:s13], [sflag:$0x6], $0x7D00, s15, s14, $0x38;
	[tilespmem:$0x14820] =	vst v63  }
0x90: {  	_ =	swait.ge [sflag:s9], $0x7D00  }
0x91: {  	[sflag:s9] =	ssyncset.done $0x0  }
0x92: {  	[sflag:s9] =	ssyncadd.s32 $0xFFFF8300  }
0x93: {  	[tilespmem:s8], [sflag:$0x3] =	stream.indirect.gather.add.f32 [hbm:s10], $0x10, s30, s7, $0xb8;
	[tilespmem:$0x14820] =	vst v63  }
0x94: {  	_ =	swait.ge [sflag:s11], $0x7D00  }
0x95: {  	[sflag:s11] =	ssyncset.done $0x0  }
0x96: {  	p0 =	sne.s32 s1, $0x1;
	[sflag:s11] =	ssyncadd.s32 $0xFFFF8300  }
0x97: {  	[hbm4b:s31+s14] =	stream.strided.scatter [tilespmem:s8], [sflag:$0x5], $0x7D00, s15, s14, $0x38;
	[tilespmem:$0x14820] =	vst v63  }
.Ltmp1:
0x98: {  	_ =	swait.ge [sflag:s23], $0x7D00;
	(pc) =	sbr.rel @p0 .LBB2_1-.Ltmp1, $4  }
0x99: {  	[sflag:s23] =	ssyncset.done $0x0  }
0x9a: {  	[sflag:s23] =	ssyncadd.s32 $0xFFFF8300  }
0x9b: {  	_ =	swait.ge [sflag:s19], $0x7D00  }
0x9c: {  	s1 =	sadd.s32 $0xFFFFFFFF, s1;
	[sflag:s19] =	ssyncset.done $0x0  }
.LBB2_2:
0x9d: {  	[sflag:s19] =	ssyncadd.s32 $0xFFFF8300  }
0x9e: {  	_ =	sfence.sel $0x180000  }
0x9f: {  	[bflag:$0x0] =	sbarrier.arrive $0xFFFF  }
0xa0: {  	_ =	strace $0x90000047  }
0xa1: {  	s0 =	stileid.u32;
	[bflag:$0x2] =	sbarrier.arrive $0xFFFF  }
0xa2: {  	p0 =	sne.s32 s0, $0x0;
	s0 =	rddreg [dreg:$0x4]  }
0xa3: {  	s0 =	sadd.s32 @!p0 $0x100000, s0  }
0xa4: {  	[sflag:s0] =	ssyncadd.tile.s32 @!p0 $0x1;
	_ =	shalt  }
.Lfunc_end2:
_tile_overlayer_lowered:
.L_overlay_start_2:
0xa5: {  	(tag) =	ssettag $0x2  }
0xa6: {  	s0 =	rddreg [dreg:$0x0];
	s2 =	stileid.u32  }
0xa7: {  	s1 =	rddreg [dreg:$0x1];
	p0 =	sne.s32 s2, $0x0  }
0xa8: {  	s3 =	rddreg [dreg:$0x2];
	[bflag:$0x3] =	sbarrier.arrive $0xFFFF;
	s2 =	simm.s32 @!p0 $0x1C07  }
0xa9: {  	[timem:s3], [sflag:s2] =	dma.local @!p0 [hbm:s0], s1  }
0xaa: {  	s0 =	simm.s32 @!p0 $0x7  }
0xab: {  	_ =	swait.ge @!p0 [sflag:s0], s1  }
0xac: {  	s1 =	ssub.s32 @!p0 $0x0, s1;
	[sflag:s0] =	ssyncset.done @!p0 $0x0  }
0xad: {  	[sflag:s0] =	ssyncadd.s32 @!p0 s1  }
0xae: {  	[bflag:$0x3] =	sbarrier.arrive $0xFFFF  }
0xaf: {  	_ =	shalt  }

</sc_bundles>
